<compile_context>
chip_gen: v7x
topology: tpu7x:2x2x1
jax: 0.10.2.dev20260603
libtpu: 0.0.44.dev20260713+nightly
codegen_flags: <defaults>
</compile_context>

<pallas_src>
import functools
import math

import jax
import jax.numpy as jnp
from jax import lax
from jax.experimental import pallas as pl
from jax.experimental.pallas import tpu as pltpu



def _rough_body(text_ref, mel_ref, wq_ref, wk_ref, wv_ref, att_ref, v_ref,
                *, scale):
    bf = jnp.bfloat16
    text = text_ref[0]
    mel = mel_ref[0]
    q = jnp.dot(text, wq_ref[...], preferred_element_type=jnp.float32).astype(bf)
    k = jnp.dot(mel, wk_ref[...], preferred_element_type=jnp.float32).astype(bf)
    v_ref[0] = jnp.dot(mel, wv_ref[...], preferred_element_type=jnp.float32)
    att_ref[0] = lax.dot_general(q, k, (((1,), (1,)), ((), ())),
                                 preferred_element_type=jnp.float32) * scale


def _rough_call(text, mel, Wq, Wk, Wv):
    B, I, C1 = text.shape
    J, C2 = mel.shape[1], mel.shape[2]
    A = Wq.shape[1]
    scale = 1.0 / math.sqrt(float(A))
    att, v = pl.pallas_call(
        functools.partial(_rough_body, scale=scale),
        grid=(B,),
        in_specs=[
            pl.BlockSpec((1, I, C1), lambda b: (b, 0, 0)),
            pl.BlockSpec((1, J, C2), lambda b: (b, 0, 0)),
            pl.BlockSpec((C1, A), lambda b: (0, 0)),
            pl.BlockSpec((C2, A), lambda b: (0, 0)),
            pl.BlockSpec((C2, A), lambda b: (0, 0)),
        ],
        out_specs=[
            pl.BlockSpec((1, I, J), lambda b: (b, 0, 0)),
            pl.BlockSpec((1, J, A), lambda b: (b, 0, 0)),
        ],
        out_shape=[
            jax.ShapeDtypeStruct((B, I, J), jnp.float32),
            jax.ShapeDtypeStruct((B, J, A), jnp.float32),
        ],
    )(text, mel, Wq, Wk, Wv)
    return att, v



def _energy_body(text_ref, selmel_ref, wq2_ref, wk2_ref, u_ref, mpd_ref,
                 amax_ref, *, scale, K):
    b = pl.program_id(0)
    bf = jnp.bfloat16
    q2 = jnp.dot(text_ref[0], wq2_ref[...],
                 preferred_element_type=jnp.float32).astype(bf)
    k2 = jnp.dot(selmel_ref[0], wk2_ref[...],
                 preferred_element_type=jnp.float32).astype(bf)
    e = lax.dot_general(q2, k2, (((1,), (1,)), ((), ())),
                        preferred_element_type=jnp.float32) * scale
    U = u_ref[b]
    kio = lax.broadcasted_iota(jnp.int32, (1, K), 1)
    mask = kio < U
    e = jnp.where(mask, e, -1e9)
    m = jnp.max(e, axis=1, keepdims=True)
    ex = jnp.exp(e - m)
    s = jnp.sum(ex, axis=1, keepdims=True)
    lsm = (e - m) - jnp.log(s)
    mpd_ref[0] = lsm * mask.astype(jnp.float32)
    idx = jnp.min(jnp.where(e == m, kio, K), axis=1, keepdims=True)
    amax_ref[0] = idx.astype(jnp.int32)


def _energy_call(text, sel_mel, Wq2, Wk2, U):
    B, I, C1 = text.shape
    K, C2 = sel_mel.shape[1], sel_mel.shape[2]
    A = Wq2.shape[1]
    scale = 1.0 / math.sqrt(float(A))
    mpd, amax = pl.pallas_call(
        functools.partial(_energy_body, scale=scale, K=K),
        grid=(B,),
        in_specs=[
            pl.BlockSpec((1, I, C1), lambda b: (b, 0, 0)),
            pl.BlockSpec((1, K, C2), lambda b: (b, 0, 0)),
            pl.BlockSpec((C1, A), lambda b: (0, 0)),
            pl.BlockSpec((C2, A), lambda b: (0, 0)),
            pl.BlockSpec(memory_space=pltpu.SMEM),
        ],
        out_specs=[
            pl.BlockSpec((1, I, K), lambda b: (b, 0, 0)),
            pl.BlockSpec((1, I, 1), lambda b: (b, 0, 0)),
        ],
        out_shape=[
            jax.ShapeDtypeStruct((B, I, K), jnp.float32),
            jax.ShapeDtypeStruct((B, I, 1), jnp.int32),
        ],
    )(text, sel_mel, Wq2, Wk2, U)
    return mpd, amax



def _expand_body(mpd_ref, text_ref, seg_ref, amax_ref, k0_ref,
                 mpf_ref, hard_ref, exp_ref, dmobo_ref, *, W, JT):
    b = pl.program_id(0)
    jt = pl.program_id(1)
    seg = seg_ref[0]
    k0 = pl.multiple_of(k0_ref[b, jt], 128)
    win = mpd_ref[0, :, pl.ds(k0, W)]
    wio = lax.broadcasted_iota(jnp.int32, (W, JT), 0) + k0
    M = (wio == seg).astype(jnp.float32)
    mpf = lax.dot_general(win, M, (((1,), (0,)), ((), ())),
                          preferred_element_type=jnp.float32)
    mpf_ref[0] = mpf
    hard = (amax_ref[0] == seg).astype(jnp.float32)
    hard_ref[0] = hard
    expd = lax.dot_general(jnp.exp(mpf), text_ref[0], (((0,), (0,)), ((), ())),
                           preferred_element_type=jnp.float32)
    exp_ref[0] = expd
    part = jnp.sum(hard, axis=1, keepdims=True)

    @pl.when(jt == 0)
    def _():
        dmobo_ref[0] = part

    @pl.when(jt > 0)
    def _():
        dmobo_ref[0] += part


def kernel(text_embeddings, mel_embeddings, text_mask, mel_mask,
           Wq, Wk, Wv, w_dur, Wq2, Wk2, D=3):
    B, I, C1 = text_embeddings.shape
    J = mel_embeddings.shape[1]
    tm = text_mask.astype(jnp.float32)
    mm = mel_mask.astype(jnp.float32)

    att0, v = _rough_call(text_embeddings, mel_embeddings, Wq, Wk, Wv)
    att = jax.nn.softmax(jnp.where(mel_mask[:, None, :], att0, -1e9), axis=-1)
    ctx = jnp.einsum('bij,bja->bia', att, v)
    logits = jnp.where(text_mask, ctx @ w_dur, -1e9)
    p = jax.nn.softmax(logits, axis=-1) * tm
    mel_len = mm.sum(axis=1)
    dur_by_rough = p * mel_len[:, None]

    cum = jnp.cumsum(dur_by_rough, axis=1)
    boundary = jnp.clip(jnp.floor(cum), 0.0, mel_len[:, None]).astype(jnp.int32)
    int_dur = jnp.diff(boundary, axis=1, prepend=jnp.zeros((B, 1), boundary.dtype))
    int_dur = int_dur * text_mask
    boundary_index = (jnp.cumsum(int_dur, axis=1) - 1) * text_mask

    D_static = 3
    offsets = (jnp.arange(-D_static, D_static + 1, dtype=jnp.int32)
               + (jnp.asarray(D, jnp.int32) - D_static))[None, :, None]
    indices = boundary_index[:, None, :] + offsets
    big = jnp.int32(1 << 30)
    valid_min = jnp.maximum(jnp.min(jnp.where(text_mask, boundary_index, big), axis=1), 0)
    valid_max = jnp.maximum(jnp.max(jnp.where(text_mask, boundary_index, -1), axis=1), 0)
    indices = jnp.clip(indices, valid_min[:, None, None], valid_max[:, None, None])
    indices = indices.reshape(B, -1)
    K = indices.shape[1]
    s = jnp.sort(indices, axis=1)
    dup = jnp.concatenate([jnp.zeros((B, 1), bool), s[:, 1:] == s[:, :-1]], axis=1)
    s2 = jnp.sort(jnp.where(dup, big, s), axis=1)
    sel_mask = s2 < big
    sel_idx = jnp.where(sel_mask, s2, 0)
    U = sel_mask.sum(axis=1).astype(jnp.int32)

    sel_mel = jnp.take_along_axis(mel_embeddings, sel_idx[:, :, None], axis=1)
    sel_mel = sel_mel * sel_mask[:, :, None].astype(jnp.float32)

    jj = jnp.arange(J, dtype=jnp.int32)
    seg_id = jax.vmap(lambda a: jnp.searchsorted(a, jj, side='left'))(s2)
    seg_id = seg_id.astype(jnp.int32)

    mpd, amax = _energy_call(text_embeddings, sel_mel, Wq2, Wk2, U)

    JT = 256
    W = 384
    NT = J // JT
    k0 = jnp.minimum((seg_id[:, ::JT] // 128) * 128, K - W).astype(jnp.int32)
    seg3 = seg_id.reshape(B, 1, J)
    seg3 = jnp.where(seg3 < U[:, None, None], seg3, jnp.int32(1 << 30) - 1)

    mpf, hard, expanded, dmobo = pl.pallas_call(
        functools.partial(_expand_body, W=W, JT=JT),
        grid=(B, NT),
        in_specs=[
            pl.BlockSpec((1, I, K), lambda b, jt: (b, 0, 0)),
            pl.BlockSpec((1, I, C1), lambda b, jt: (b, 0, 0)),
            pl.BlockSpec((1, 1, JT), lambda b, jt: (b, 0, jt)),
            pl.BlockSpec((1, I, 1), lambda b, jt: (b, 0, 0)),
            pl.BlockSpec(memory_space=pltpu.SMEM),
        ],
        out_specs=[
            pl.BlockSpec((1, I, JT), lambda b, jt: (b, 0, jt)),
            pl.BlockSpec((1, I, JT), lambda b, jt: (b, 0, jt)),
            pl.BlockSpec((1, JT, C1), lambda b, jt: (b, jt, 0)),
            pl.BlockSpec((1, I, 1), lambda b, jt: (b, 0, 0)),
        ],
        out_shape=[
            jax.ShapeDtypeStruct((B, I, J), jnp.float32),
            jax.ShapeDtypeStruct((B, I, J), jnp.float32),
            jax.ShapeDtypeStruct((B, J, C1), jnp.float32),
            jax.ShapeDtypeStruct((B, I, 1), jnp.float32),
        ],
    )(mpd, text_embeddings, seg3, amax, k0)

    dur_by_mobo = dmobo.reshape(B, I) * tm
    return (mpf, hard, expanded, dur_by_rough, dur_by_mobo)

# --- scband reference (transcript-rebuilt; emitter-appended) ---
"""Pipeline reference for scband-ro-mo-aligner-22634477650722 (READ-ONLY COPY).

The authoritative reference and input builder live on the scoring server;
editing this copy changes nothing except your own understanding.
"""

import jax, jax.numpy as jnp
import numpy as np


def setup_inputs(seed: int = 0) -> dict:
    key = jax.random.key(seed)
    ks = jax.random.split(key, 10)
    B, I, J = 8, 256, 2048
    C1, C2, A = 256, 80, 256
    text_embeddings = jax.random.normal(ks[0], (B, I, C1), jnp.float32)
    mel_embeddings = jax.random.normal(ks[1], (B, J, C2), jnp.float32)
    text_mask = jnp.ones((B, I), dtype=bool)
    mel_mask = jnp.ones((B, J), dtype=bool)
    Wq = jax.random.normal(ks[2], (C1, A), jnp.float32) * 0.05
    Wk = jax.random.normal(ks[3], (C2, A), jnp.float32) * 0.05
    Wv = jax.random.normal(ks[4], (C2, A), jnp.float32) * 0.05
    w_dur = jax.random.normal(ks[5], (A,), jnp.float32) * 0.05
    Wq2 = jax.random.normal(ks[6], (C1, A), jnp.float32) * 0.05
    Wk2 = jax.random.normal(ks[7], (C2, A), jnp.float32) * 0.05
    return dict(text_embeddings=text_embeddings, mel_embeddings=mel_embeddings,
                text_mask=text_mask, mel_mask=mel_mask,
                Wq=Wq, Wk=Wk, Wv=Wv, w_dur=w_dur, Wq2=Wq2, Wk2=Wk2, D=3)


def reference(text_embeddings, mel_embeddings, text_mask, mel_mask, Wq, Wk, Wv, w_dur, Wq2, Wk2, D=3):
    B, I, C1 = text_embeddings.shape
    J = mel_embeddings.shape[1]
    A = Wq.shape[1]
    scale = 1.0 / jnp.sqrt(jnp.float32(A))
    tm = text_mask.astype(jnp.float32)
    mm = mel_mask.astype(jnp.float32)

    # ---- RoughAligner: cross-attention + duration prediction ----
    q = text_embeddings @ Wq
    k = mel_embeddings @ Wk
    v = mel_embeddings @ Wv
    att = jnp.einsum('bia,bja->bij', q, k) * scale
    att = jnp.where(mel_mask[:, None, :], att, -1e9)
    att = jax.nn.softmax(att, axis=-1)
    ctx = jnp.einsum('bij,bja->bia', att, v)
    logits = ctx @ w_dur
    logits = jnp.where(text_mask, logits, -1e9)
    p = jax.nn.softmax(logits, axis=-1) * tm
    mel_len = mm.sum(axis=1)
    dur_by_rough = p * mel_len[:, None]
    cum = jnp.cumsum(dur_by_rough, axis=1)
    boundary = jnp.clip(jnp.floor(cum), 0.0, mel_len[:, None]).astype(jnp.int32)
    boundary = jax.lax.stop_gradient(boundary)
    int_dur = jnp.diff(boundary, axis=1, prepend=jnp.zeros((B, 1), boundary.dtype))
    int_dur = int_dur * text_mask

    # ---- get_nearest_boundaries (no_grad): unique via double sort + sentinel ----
    boundary_index = (jnp.cumsum(int_dur, axis=1) - 1) * text_mask
    D_static = 3
    offsets = (jnp.arange(-D_static, D_static + 1, dtype=jnp.int32)
               + (jnp.asarray(D, jnp.int32) - D_static))[None, :, None]
    indices = boundary_index[:, None, :] + offsets  # (B, 2D+1, I)
    big = jnp.int32(1 << 30)
    valid_min = jnp.maximum(jnp.min(jnp.where(text_mask, boundary_index, big), axis=1), 0)
    valid_max = jnp.maximum(jnp.max(jnp.where(text_mask, boundary_index, -1), axis=1), 0)
    indices = jnp.clip(indices, valid_min[:, None, None], valid_max[:, None, None])
    indices = indices.reshape(B, -1)  # (B, K) with K = I*(2D+1)
    s = jnp.sort(indices, axis=1)
    dup = jnp.concatenate([jnp.zeros((B, 1), bool), s[:, 1:] == s[:, :-1]], axis=1)
    s2 = jnp.sort(jnp.where(dup, big, s), axis=1)
    sel_mask = s2 < big
    sel_idx = jnp.where(sel_mask, s2, 0)

    # ---- select_mel_embeddings ----
    sel_mel = jnp.take_along_axis(mel_embeddings, sel_idx[:, :, None], axis=1)
    sel_mel = sel_mel * sel_mask[:, :, None].astype(jnp.float32)

    # ---- MoBoAligner: log-domain monotonic-boundary soft alignment ----
    q2 = text_embeddings @ Wq2
    k2 = sel_mel @ Wk2
    energy = jnp.einsum('bia,bka->bik', q2, k2) * scale
    energy = jnp.where(sel_mask[:, None, :], energy, -1e9)
    mat_p_d = jax.nn.log_softmax(energy, axis=-1)
    mat_p_d = mat_p_d * tm[:, :, None] * sel_mask[:, None, :].astype(jnp.float32)
    hard_mat_p_d = jax.nn.one_hot(jnp.argmax(energy, axis=-1), energy.shape[-1], dtype=jnp.float32)
    hard_mat_p_d = jax.lax.stop_gradient(hard_mat_p_d * tm[:, :, None])

    # ---- get_map_d_f: boundary -> frame expansion map (B, K, J) ----
    padded = jnp.concatenate([-jnp.ones((B, 1), sel_idx.dtype), sel_idx], axis=1)
    rt = jnp.diff(padded, axis=1) * sel_mask
    ends = jnp.cumsum(rt, axis=1)
    starts = ends - rt
    jj = jnp.arange(J, dtype=jnp.int32)[None, None, :]
    map_d_f = ((jj >= starts[:, :, None]) & (jj < ends[:, :, None])).astype(jnp.float32)

    mat_p_f = jnp.einsum('bik,bkj->bij', mat_p_d, map_d_f)
    hard_mat_p_f = jnp.einsum('bik,bkj->bij', hard_mat_p_d, map_d_f)
    expanded_text_embeddings = jnp.einsum('bij,bic->bjc', jnp.exp(mat_p_f), text_embeddings)
    expanded_text_embeddings = expanded_text_embeddings * mel_mask[:, :, None].astype(jnp.float32)
    dur_by_mobo = hard_mat_p_f.sum(axis=2)
    return (mat_p_f, hard_mat_p_f, expanded_text_embeddings, dur_by_rough, dur_by_mobo)

if __name__ == "__main__":
    import jax
    _d = setup_inputs()
    print(jax.jit(kernel)(*tuple(_d.values())))

</pallas_src>

<mosaic_0001>
module {
  func.func @main(%arg0: i32, %arg1: i32, %arg2: i32, %arg3: memref<1x256x1024xf32, #tpu.memory_space<vmem>>, %arg4: memref<1x1024x256xf32, #tpu.memory_space<vmem>>, %arg5: memref<1x256x256xf32, #tpu.memory_space<vmem>>, %arg6: memref<1x256x1xf32, #tpu.memory_space<vmem>>, %arg7: memref<1x256x1xf32, #tpu.memory_space<vmem>>) attributes {dimension_semantics = [#tpu.dimension_semantics<parallel>, #tpu.dimension_semantics<parallel>, #tpu.dimension_semantics<arbitrary>], iteration_bounds = array<i64: 8, 1, 2>, scratch_operands = 2 : i64, window_params = [{transform_indices = @qk_fn, window_bounds = array<i64: 1, 256, 1024>}, {transform_indices = @v_fn, window_bounds = array<i64: 1, 1024, 256>}, {transform_indices = @oi_fn, window_bounds = array<i64: 1, 256, 256>}]} {
    %c0 = arith.constant 0 : index
    %c0_i32 = arith.constant 0 : i32
    %0 = arith.cmpi eq, %c0_i32, %arg2 : i32
    scf.if %0 {
      %cst_3 = arith.constant dense<0.000000e+00> : vector<1x256x256xf32>
      vector.store %cst_3, %arg5[%c0, %c0, %c0] : memref<1x256x256xf32, #tpu.memory_space<vmem>>, vector<1x256x256xf32>
      %cst_4 = arith.constant dense<0xFF800000> : vector<1x256x1xf32>
      vector.store %cst_4, %arg6[%c0, %c0, %c0] : memref<1x256x1xf32, #tpu.memory_space<vmem>>, vector<1x256x1xf32>
      %cst_5 = arith.constant dense<0.000000e+00> : vector<1x256x1xf32>
      vector.store %cst_5, %arg7[%c0, %c0, %c0] : memref<1x256x1xf32, #tpu.memory_space<vmem>>, vector<1x256x1xf32>
    }
    %1 = vector.load %arg3[%c0, %c0, %c0] : memref<1x256x1024xf32, #tpu.memory_space<vmem>>, vector<1x256x1024xf32>
    %cst = arith.constant dense<0xFF800000> : vector<1x256xf32>
    %2 = vector.multi_reduction <maximumf>, %1, %cst [2] : vector<1x256x1024xf32> to vector<1x256xf32>
    %3 = vector.shape_cast %2 : vector<1x256xf32> to vector<1x256x1xf32>
    %4 = vector.load %arg6[%c0, %c0, %c0] : memref<1x256x1xf32, #tpu.memory_space<vmem>>, vector<1x256x1xf32>
    %5 = arith.maximumf %4, %3 : vector<1x256x1xf32>
    %cst_0 = arith.constant dense<0.000000e+00> : vector<1x256x1xf32>
    %6 = arith.cmpf oeq, %4, %5 : vector<1x256x1xf32>
    %7 = arith.subf %4, %5 : vector<1x256x1xf32>
    %8 = arith.select %6, %cst_0, %7 : vector<1x256x1xi1>, vector<1x256x1xf32>
    %9 = vector.broadcast %5 : vector<1x256x1xf32> to vector<1x256x1024xf32>
    %10 = arith.subf %1, %9 : vector<1x256x1024xf32>
    %11 = math.exp %10 : vector<1x256x1024xf32>
    %cst_1 = arith.constant dense<0.000000e+00> : vector<1x256xf32>
    %12 = vector.multi_reduction <add>, %11, %cst_1 [2] : vector<1x256x1024xf32> to vector<1x256xf32>
    %13 = vector.shape_cast %12 : vector<1x256xf32> to vector<1x256x1xf32>
    %14 = vector.load %arg7[%c0, %c0, %c0] : memref<1x256x1xf32, #tpu.memory_space<vmem>>, vector<1x256x1xf32>
    %15 = math.exp %8 : vector<1x256x1xf32>
    %16 = arith.mulf %15, %14 : vector<1x256x1xf32>
    %17 = arith.addf %16, %13 : vector<1x256x1xf32>
    %18 = vector.load %arg5[%c0, %c0, %c0] : memref<1x256x256xf32, #tpu.memory_space<vmem>>, vector<1x256x256xf32>
    %19 = math.exp %8 : vector<1x256x1xf32>
    %20 = arith.mulf %19, %14 : vector<1x256x1xf32>
    %21 = vector.broadcast %20 : vector<1x256x1xf32> to vector<1x256x256xf32>
    %22 = arith.mulf %21, %18 : vector<1x256x256xf32>
    %23 = vector.load %arg4[%c0, %c0, %c0] : memref<1x1024x256xf32, #tpu.memory_space<vmem>>, vector<1x1024x256xf32>
    %24 = vector.shape_cast %23 : vector<1x1024x256xf32> to vector<1024x256xf32>
    %25 = vector.shape_cast %11 : vector<1x256x1024xf32> to vector<256x1024xf32>
    %26 = vector.shape_cast %22 : vector<1x256x256xf32> to vector<256x256xf32>
    %27 = tpu.matmul %25, %24, %26 {dimension_numbers = #tpu.dot_dimension_numbers<[1], [0], [0], [1], [0, 0, 1, 1], [], []>, precision = #tpu.contract_precision<bf16>, transpose_lhs_hint = false} : vector<256x1024xf32>, vector<1024x256xf32>, vector<256x256xf32> -> vector<256x256xf32>
    %28 = vector.shape_cast %27 : vector<256x256xf32> to vector<1x256x256xf32>
    %cst_2 = arith.constant dense<1.000000e+00> : vector<1x256x1xf32>
    %29 = arith.divf %cst_2, %17 : vector<1x256x1xf32>
    %30 = vector.broadcast %29 : vector<1x256x1xf32> to vector<1x256x256xf32>
    %31 = arith.mulf %28, %30 : vector<1x256x256xf32>
    %32 = vector.shape_cast %31 : vector<1x256x256xf32> to vector<1x256x256xf32>
    vector.store %32, %arg5[%c0, %c0, %c0] : memref<1x256x256xf32, #tpu.memory_space<vmem>>, vector<1x256x256xf32>
    vector.store %5, %arg6[%c0, %c0, %c0] : memref<1x256x1xf32, #tpu.memory_space<vmem>>, vector<1x256x1xf32>
    vector.store %17, %arg7[%c0, %c0, %c0] : memref<1x256x1xf32, #tpu.memory_space<vmem>>, vector<1x256x1xf32>
    return
  }
  func.func @qk_fn(%arg0: i32, %arg1: i32, %arg2: i32) -> (i32, i32, i32) {
    return %arg0, %arg1, %arg2 : i32, i32, i32
  }
  func.func @v_fn(%arg0: i32, %arg1: i32, %arg2: i32) -> (i32, i32, i32) {
    %c0_i32 = arith.constant 0 : i32
    return %arg0, %arg2, %c0_i32 : i32, i32, i32
  }
  func.func @oi_fn(%arg0: i32, %arg1: i32, %arg2: i32) -> (i32, i32, i32) {
    %c0_i32 = arith.constant 0 : i32
    return %arg0, %arg1, %c0_i32 : i32, i32, i32
  }
}

module attributes {stable_mosaic.version = 14 : i64} {
  func.func @_rough_body(%arg0: i32, %arg1: memref<1x256x256xf32, #tpu.memory_space<vmem>>, %arg2: memref<1x2048x80xf32, #tpu.memory_space<vmem>>, %arg3: memref<256x256xf32, #tpu.memory_space<vmem>>, %arg4: memref<80x256xf32, #tpu.memory_space<vmem>>, %arg5: memref<80x256xf32, #tpu.memory_space<vmem>>, %arg6: memref<1x256x2048xf32, #tpu.memory_space<vmem>>, %arg7: memref<1x2048x256xf32, #tpu.memory_space<vmem>>) attributes {dimension_semantics = [#tpu.dimension_semantics<arbitrary>], iteration_bounds = array<i64: 8>, scalar_prefetch = 0 : i64, scratch_operands = 0 : i64, tpu.core_type = #tpu.core_type<tc>, window_params = [{transform_indices = @transform_0, window_bounds = array<i64: 1, 256, 256>}, {transform_indices = @transform_1, window_bounds = array<i64: 1, 2048, 80>}, {pipeline_mode = #tpu.pipeline_mode<synchronous>, transform_indices = @transform_2, window_bounds = array<i64: 256, 256>}, {pipeline_mode = #tpu.pipeline_mode<synchronous>, transform_indices = @transform_3, window_bounds = array<i64: 80, 256>}, {pipeline_mode = #tpu.pipeline_mode<synchronous>, transform_indices = @transform_4, window_bounds = array<i64: 80, 256>}, {transform_indices = @transform_5, window_bounds = array<i64: 1, 256, 2048>}, {transform_indices = @transform_6, window_bounds = array<i64: 1, 2048, 256>}]} {
    %get3A = arith.constant 0 : index
    %get3A_0 = arith.constant 0 : index
    %get3A_1 = arith.constant 0 : index
    %get3A_2 = vector.load %arg1[%get3A, %get3A_0, %get3A_1] : memref<1x256x256xf32, #tpu.memory_space<vmem>>, vector<1x256x256xf32>
    %get3A_3 = vector.shape_cast %get3A_2 : vector<1x256x256xf32> to vector<256x256xf32>
    %get3A_4 = arith.constant 0 : index
    %get3A_5 = arith.constant 0 : index
    %get3A_6 = arith.constant 0 : index
    %get3A_7 = vector.load %arg2[%get3A_4, %get3A_5, %get3A_6] : memref<1x2048x80xf32, #tpu.memory_space<vmem>>, vector<1x2048x80xf32>
    %get3A_8 = vector.shape_cast %get3A_7 : vector<1x2048x80xf32> to vector<2048x80xf32>
    %get3A_9 = arith.constant 0 : index
    %get3A_10 = arith.constant 0 : index
    %get3A_11 = vector.load %arg3[%get3A_9, %get3A_10] : memref<256x256xf32, #tpu.memory_space<vmem>>, vector<256x256xf32>
    %dot_general3A = arith.constant dense<0.000000e+00> : vector<256x256xf32>
    %dot_general3A_12 = tpu.matmul %get3A_3, %get3A_11, %dot_general3A {dimension_numbers = #tpu.dot_dimension_numbers<[1], [0], [0], [1], [0, 0, 1, 1], [], []>, transpose_lhs_hint = false} : vector<256x256xf32>, vector<256x256xf32>, vector<256x256xf32> -> vector<256x256xf32>
    %convert_element_type3A = arith.truncf %dot_general3A_12 : vector<256x256xf32> to vector<256x256xbf16>
    %get3A_13 = arith.constant 0 : index
    %get3A_14 = arith.constant 0 : index
    %get3A_15 = vector.load %arg4[%get3A_13, %get3A_14] : memref<80x256xf32, #tpu.memory_space<vmem>>, vector<80x256xf32>
    %dot_general3A_16 = arith.constant dense<0.000000e+00> : vector<2048x256xf32>
    %dot_general3A_17 = tpu.matmul %get3A_8, %get3A_15, %dot_general3A_16 {dimension_numbers = #tpu.dot_dimension_numbers<[1], [0], [0], [1], [0, 0, 1, 1], [], []>, transpose_lhs_hint = false} : vector<2048x80xf32>, vector<80x256xf32>, vector<2048x256xf32> -> vector<2048x256xf32>
    %convert_element_type3A_18 = arith.truncf %dot_general3A_17 : vector<2048x256xf32> to vector<2048x256xbf16>
    %get3A_19 = arith.constant 0 : index
    %get3A_20 = arith.constant 0 : index
    %get3A_21 = vector.load %arg5[%get3A_19, %get3A_20] : memref<80x256xf32, #tpu.memory_space<vmem>>, vector<80x256xf32>
    %dot_general3A_22 = arith.constant dense<0.000000e+00> : vector<2048x256xf32>
    %dot_general3A_23 = tpu.matmul %get3A_8, %get3A_21, %dot_general3A_22 {dimension_numbers = #tpu.dot_dimension_numbers<[1], [0], [0], [1], [0, 0, 1, 1], [], []>, transpose_lhs_hint = false} : vector<2048x80xf32>, vector<80x256xf32>, vector<2048x256xf32> -> vector<2048x256xf32>
    %swap3A = arith.constant 0 : index
    %swap3A_24 = arith.constant 0 : index
    %swap3A_25 = arith.constant 0 : index
    %swap3A_26 = vector.load %arg7[%swap3A, %swap3A_24, %swap3A_25] : memref<1x2048x256xf32, #tpu.memory_space<vmem>>, vector<1x2048x256xf32>
    %swap3A_27 = vector.shape_cast %swap3A_26 : vector<1x2048x256xf32> to vector<2048x256xf32>
    %swap3A_28 = vector.shape_cast %dot_general3A_23 : vector<2048x256xf32> to vector<1x2048x256xf32>
    tpu.vector_store %arg7[%swap3A, %swap3A_24, %swap3A_25], %swap3A_28 {strides = array<i32>} : memref<1x2048x256xf32, #tpu.memory_space<vmem>>, vector<1x2048x256xf32>,
    %dot_general3A_29 = arith.constant dense<0.000000e+00> : vector<256x2048xf32>
    %dot_general3A_30 = tpu.matmul %convert_element_type3A, %convert_element_type3A_18, %dot_general3A_29 {dimension_numbers = #tpu.dot_dimension_numbers<[1], [1], [0], [0], [0, 0, 1, 0], [], []>, transpose_lhs_hint = false} : vector<256x256xbf16>, vector<2048x256xbf16>, vector<256x2048xf32> -> vector<256x2048xf32>
    %mul3A = arith.constant 6.250000e-02 : f32
    %mul3A_31 = vector.broadcast %mul3A : f32 to vector<256x2048xf32>
    %mul3A_32 = arith.mulf %dot_general3A_30, %mul3A_31 : vector<256x2048xf32>
    %swap3A_33 = arith.constant 0 : index
    %swap3A_34 = arith.constant 0 : index
    %swap3A_35 = arith.constant 0 : index
    %swap3A_36 = vector.load %arg6[%swap3A_33, %swap3A_34, %swap3A_35] : memref<1x256x2048xf32, #tpu.memory_space<vmem>>, vector<1x256x2048xf32>
    %swap3A_37 = vector.shape_cast %swap3A_36 : vector<1x256x2048xf32> to vector<256x2048xf32>
    %swap3A_38 = vector.shape_cast %mul3A_32 : vector<256x2048xf32> to vector<1x256x2048xf32>
    tpu.vector_store %arg6[%swap3A_33, %swap3A_34, %swap3A_35], %swap3A_38 {strides = array<i32>} : memref<1x256x2048xf32, #tpu.memory_space<vmem>>, vector<1x256x2048xf32>,
    return
  }
  func.func @transform_0(%arg0: i32) -> (i32, i32, i32) {
    %c0_i32 = arith.constant 0 : i32
    %c0_i32_0 = arith.constant 0 : i32
    %c0_i32_1 = arith.constant 0 : i32
    return %arg0, %c0_i32, %c0_i32_0 : i32, i32, i32
  }
  func.func @transform_1(%arg0: i32) -> (i32, i32, i32) {
    %c0_i32 = arith.constant 0 : i32
    %c0_i32_0 = arith.constant 0 : i32
    %c0_i32_1 = arith.constant 0 : i32
    return %arg0, %c0_i32, %c0_i32_0 : i32, i32, i32
  }
  func.func @transform_2(%arg0: i32) -> (i32, i32) {
    %c0_i32 = arith.constant 0 : i32
    %c0_i32_0 = arith.constant 0 : i32
    %c0_i32_1 = arith.constant 0 : i32
    return %c0_i32, %c0_i32_0 : i32, i32
  }
  func.func @transform_3(%arg0: i32) -> (i32, i32) {
    %c0_i32 = arith.constant 0 : i32
    %c0_i32_0 = arith.constant 0 : i32
    %c0_i32_1 = arith.constant 0 : i32
    return %c0_i32, %c0_i32_0 : i32, i32
  }
  func.func @transform_4(%arg0: i32) -> (i32, i32) {
    %c0_i32 = arith.constant 0 : i32
    %c0_i32_0 = arith.constant 0 : i32
    %c0_i32_1 = arith.constant 0 : i32
    return %c0_i32, %c0_i32_0 : i32, i32
  }
  func.func @transform_5(%arg0: i32) -> (i32, i32, i32) {
    %c0_i32 = arith.constant 0 : i32
    %c0_i32_0 = arith.constant 0 : i32
    %c0_i32_1 = arith.constant 0 : i32
    return %arg0, %c0_i32, %c0_i32_0 : i32, i32, i32
  }
  func.func @transform_6(%arg0: i32) -> (i32, i32, i32) {
    %c0_i32 = arith.constant 0 : i32
    %c0_i32_0 = arith.constant 0 : i32
    %c0_i32_1 = arith.constant 0 : i32
    return %arg0, %c0_i32, %c0_i32_0 : i32, i32, i32
  }
}

module attributes {stable_mosaic.version = 14 : i64} {
  func.func @_energy_body(%arg0: i32, %arg1: memref<1x256x256xf32, #tpu.memory_space<vmem>>, %arg2: memref<1x1792x80xf32, #tpu.memory_space<vmem>>, %arg3: memref<256x256xf32, #tpu.memory_space<vmem>>, %arg4: memref<80x256xf32, #tpu.memory_space<vmem>>, %arg5: memref<8xi32, #tpu.memory_space<smem>>, %arg6: memref<1x256x1792xf32, #tpu.memory_space<vmem>>, %arg7: memref<1x256x1xi32, #tpu.memory_space<vmem>>) attributes {dimension_semantics = [#tpu.dimension_semantics<arbitrary>], iteration_bounds = array<i64: 8>, scalar_prefetch = 0 : i64, scratch_operands = 0 : i64, tpu.core_type = #tpu.core_type<tc>, window_params = [{transform_indices = @transform_0, window_bounds = array<i64: 1, 256, 256>}, {transform_indices = @transform_1, window_bounds = array<i64: 1, 1792, 80>}, {pipeline_mode = #tpu.pipeline_mode<synchronous>, transform_indices = @transform_2, window_bounds = array<i64: 256, 256>}, {pipeline_mode = #tpu.pipeline_mode<synchronous>, transform_indices = @transform_3, window_bounds = array<i64: 80, 256>}, {transform_indices = @transform_4, window_bounds = array<i64: 8>}, {transform_indices = @transform_5, window_bounds = array<i64: 1, 256, 1792>}, {transform_indices = @transform_6, window_bounds = array<i64: 1, 256, 1>}]} {
    %get3A = arith.constant 0 : index
    %get3A_0 = arith.constant 0 : index
    %get3A_1 = arith.constant 0 : index
    %get3A_2 = vector.load %arg1[%get3A, %get3A_0, %get3A_1] : memref<1x256x256xf32, #tpu.memory_space<vmem>>, vector<1x256x256xf32>
    %get3A_3 = vector.shape_cast %get3A_2 : vector<1x256x256xf32> to vector<256x256xf32>
    %get3A_4 = arith.constant 0 : index
    %get3A_5 = arith.constant 0 : index
    %get3A_6 = vector.load %arg3[%get3A_4, %get3A_5] : memref<256x256xf32, #tpu.memory_space<vmem>>, vector<256x256xf32>
    %dot_general3A = arith.constant dense<0.000000e+00> : vector<256x256xf32>
    %dot_general3A_7 = tpu.matmul %get3A_3, %get3A_6, %dot_general3A {dimension_numbers = #tpu.dot_dimension_numbers<[1], [0], [0], [1], [0, 0, 1, 1], [], []>, transpose_lhs_hint = false} : vector<256x256xf32>, vector<256x256xf32>, vector<256x256xf32> -> vector<256x256xf32>
    %convert_element_type3A = arith.truncf %dot_general3A_7 : vector<256x256xf32> to vector<256x256xbf16>
    %get3A_8 = arith.constant 0 : index
    %get3A_9 = arith.constant 0 : index
    %get3A_10 = arith.constant 0 : index
    %get3A_11 = vector.load %arg2[%get3A_8, %get3A_9, %get3A_10] : memref<1x1792x80xf32, #tpu.memory_space<vmem>>, vector<1x1792x80xf32>
    %get3A_12 = vector.shape_cast %get3A_11 : vector<1x1792x80xf32> to vector<1792x80xf32>
    %get3A_13 = arith.constant 0 : index
    %get3A_14 = arith.constant 0 : index
    %get3A_15 = vector.load %arg4[%get3A_13, %get3A_14] : memref<80x256xf32, #tpu.memory_space<vmem>>, vector<80x256xf32>
    %dot_general3A_16 = arith.constant dense<0.000000e+00> : vector<1792x256xf32>
    %dot_general3A_17 = tpu.matmul %get3A_12, %get3A_15, %dot_general3A_16 {dimension_numbers = #tpu.dot_dimension_numbers<[1], [0], [0], [1], [0, 0, 1, 1], [], []>, transpose_lhs_hint = false} : vector<1792x80xf32>, vector<80x256xf32>, vector<1792x256xf32> -> vector<1792x256xf32>
    %convert_element_type3A_18 = arith.truncf %dot_general3A_17 : vector<1792x256xf32> to vector<1792x256xbf16>
    %dot_general3A_19 = arith.constant dense<0.000000e+00> : vector<256x1792xf32>
    %dot_general3A_20 = tpu.matmul %convert_element_type3A, %convert_element_type3A_18, %dot_general3A_19 {dimension_numbers = #tpu.dot_dimension_numbers<[1], [1], [0], [0], [0, 0, 1, 0], [], []>, transpose_lhs_hint = false} : vector<256x256xbf16>, vector<1792x256xbf16>, vector<256x1792xf32> -> vector<256x1792xf32>
    %mul3A = arith.constant 6.250000e-02 : f32
    %mul3A_21 = vector.broadcast %mul3A : f32 to vector<256x1792xf32>
    %mul3A_22 = arith.mulf %dot_general3A_20, %mul3A_21 : vector<256x1792xf32>
    %get3A_23 = arith.index_cast %arg0 : i32 to index
    %get3A_24 = memref.load %arg5[%get3A_23] : memref<8xi32, #tpu.memory_space<smem>>
    %iota3A = tpu.iota {dimensions = array<i32: 1>} : vector<1x1792xi32>
    %lt3A = vector.broadcast %get3A_24 : i32 to vector<1x1792xi32>
    %lt3A_25 = arith.cmpi slt, %iota3A, %lt3A : vector<1x1792xi32>
    %jit3A = arith.constant -1.000000e+09 : f32
    %broadcast_in_dim3A = vector.shape_cast %lt3A_25 : vector<1x1792xi1> to vector<1x1792xi1>
    %broadcast_in_dim3A_26 = vector.broadcast %broadcast_in_dim3A : vector<1x1792xi1> to vector<256x1792xi1>
    %broadcast_in_dim3A_27 = vector.broadcast %jit3A : f32 to vector<256x1792xf32>
    %select_n3A = arith.select %broadcast_in_dim3A_26, %mul3A_22, %broadcast_in_dim3A_27 : vector<256x1792xi1>, vector<256x1792xf32>
    %reduce_max3A = arith.constant dense<0xFF800000> : vector<256xf32>
    %reduce_max3A_28 = vector.multi_reduction <maximumf>, %select_n3A, %reduce_max3A [1] : vector<256x1792xf32> to vector<256xf32>
    %broadcast_in_dim3A_29 = vector.shape_cast %reduce_max3A_28 : vector<256xf32> to vector<256x1xf32>
    %sub3A = vector.broadcast %broadcast_in_dim3A_29 : vector<256x1xf32> to vector<256x1792xf32>
    %sub3A_30 = arith.subf %select_n3A, %sub3A : vector<256x1792xf32>
    %exp3A = math.exp %sub3A_30 : vector<256x1792xf32>
    %reduce_sum3A = arith.constant dense<0.000000e+00> : vector<256xf32>
    %reduce_sum3A_31 = vector.multi_reduction <add>, %exp3A, %reduce_sum3A [1] : vector<256x1792xf32> to vector<256xf32>
    %broadcast_in_dim3A_32 = vector.shape_cast %reduce_sum3A_31 : vector<256xf32> to vector<256x1xf32>
    %sub3A_33 = vector.broadcast %broadcast_in_dim3A_29 : vector<256x1xf32> to vector<256x1792xf32>
    %sub3A_34 = arith.subf %select_n3A, %sub3A_33 : vector<256x1792xf32>
    %log3A = math.log %broadcast_in_dim3A_32 : vector<256x1xf32>
    %sub3A_35 = vector.broadcast %log3A : vector<256x1xf32> to vector<256x1792xf32>
    %sub3A_36 = arith.subf %sub3A_34, %sub3A_35 : vector<256x1792xf32>
    %convert_element_type3A_37 = arith.extui %lt3A_25 : vector<1x1792xi1> to vector<1x1792xi32>
    %convert_element_type3A_38 = arith.sitofp %convert_element_type3A_37 : vector<1x1792xi32> to vector<1x1792xf32>
    %mul3A_39 = vector.broadcast %convert_element_type3A_38 : vector<1x1792xf32> to vector<256x1792xf32>
    %mul3A_40 = arith.mulf %sub3A_36, %mul3A_39 : vector<256x1792xf32>
    %swap3A = arith.constant 0 : index
    %swap3A_41 = arith.constant 0 : index
    %swap3A_42 = arith.constant 0 : index
    %swap3A_43 = vector.load %arg6[%swap3A, %swap3A_41, %swap3A_42] : memref<1x256x1792xf32, #tpu.memory_space<vmem>>, vector<1x256x1792xf32>
    %swap3A_44 = vector.shape_cast %swap3A_43 : vector<1x256x1792xf32> to vector<256x1792xf32>
    %swap3A_45 = vector.shape_cast %mul3A_40 : vector<256x1792xf32> to vector<1x256x1792xf32>
    tpu.vector_store %arg6[%swap3A, %swap3A_41, %swap3A_42], %swap3A_45 {strides = array<i32>} : memref<1x256x1792xf32, #tpu.memory_space<vmem>>, vector<1x256x1792xf32>,
    %eq3A = vector.broadcast %broadcast_in_dim3A_29 : vector<256x1xf32> to vector<256x1792xf32>
    %eq3A_46 = arith.cmpf oeq, %select_n3A, %eq3A : vector<256x1792xf32>
    %jit3A_47 = arith.constant 1792 : i32
    %broadcast_in_dim3A_48 = vector.shape_cast %iota3A : vector<1x1792xi32> to vector<1x1792xi32>
    %broadcast_in_dim3A_49 = vector.broadcast %broadcast_in_dim3A_48 : vector<1x1792xi32> to vector<256x1792xi32>
    %broadcast_in_dim3A_50 = vector.broadcast %jit3A_47 : i32 to vector<256x1792xi32>
    %select_n3A_51 = arith.select %eq3A_46, %broadcast_in_dim3A_49, %broadcast_in_dim3A_50 : vector<256x1792xi1>, vector<256x1792xi32>
    %reduce_min3A = arith.constant dense<2147483647> : vector<256xi32>
    %reduce_min3A_52 = vector.multi_reduction <minsi>, %select_n3A_51, %reduce_min3A [1] : vector<256x1792xi32> to vector<256xi32>
    %broadcast_in_dim3A_53 = vector.shape_cast %reduce_min3A_52 : vector<256xi32> to vector<256x1xi32>
    %swap3A_54 = arith.constant 0 : index
    %swap3A_55 = arith.constant 0 : index
    %swap3A_56 = arith.constant 0 : index
    %swap3A_57 = vector.load %arg7[%swap3A_54, %swap3A_55, %swap3A_56] : memref<1x256x1xi32, #tpu.memory_space<vmem>>, vector<1x256x1xi32>
    %swap3A_58 = vector.shape_cast %swap3A_57 : vector<1x256x1xi32> to vector<256x1xi32>
    %swap3A_59 = vector.shape_cast %broadcast_in_dim3A_53 : vector<256x1xi32> to vector<1x256x1xi32>
    tpu.vector_store %arg7[%swap3A_54, %swap3A_55, %swap3A_56], %swap3A_59 {strides = array<i32>} : memref<1x256x1xi32, #tpu.memory_space<vmem>>, vector<1x256x1xi32>,
    return
  }
  func.func @transform_0(%arg0: i32) -> (i32, i32, i32) {
    %c0_i32 = arith.constant 0 : i32
    %c0_i32_0 = arith.constant 0 : i32
    %c0_i32_1 = arith.constant 0 : i32
    return %arg0, %c0_i32, %c0_i32_0 : i32, i32, i32
  }
  func.func @transform_1(%arg0: i32) -> (i32, i32, i32) {
    %c0_i32 = arith.constant 0 : i32
    %c0_i32_0 = arith.constant 0 : i32
    %c0_i32_1 = arith.constant 0 : i32
    return %arg0, %c0_i32, %c0_i32_0 : i32, i32, i32
  }
  func.func @transform_2(%arg0: i32) -> (i32, i32) {
    %c0_i32 = arith.constant 0 : i32
    %c0_i32_0 = arith.constant 0 : i32
    %c0_i32_1 = arith.constant 0 : i32
    return %c0_i32, %c0_i32_0 : i32, i32
  }
  func.func @transform_3(%arg0: i32) -> (i32, i32) {
    %c0_i32 = arith.constant 0 : i32
    %c0_i32_0 = arith.constant 0 : i32
    %c0_i32_1 = arith.constant 0 : i32
    return %c0_i32, %c0_i32_0 : i32, i32
  }
  func.func @transform_4(%arg0: i32) -> i32 {
    %c0_i32 = arith.constant 0 : i32
    %c0_i32_0 = arith.constant 0 : i32
    return %c0_i32 : i32
  }
  func.func @transform_5(%arg0: i32) -> (i32, i32, i32) {
    %c0_i32 = arith.constant 0 : i32
    %c0_i32_0 = arith.constant 0 : i32
    %c0_i32_1 = arith.constant 0 : i32
    return %arg0, %c0_i32, %c0_i32_0 : i32, i32, i32
  }
  func.func @transform_6(%arg0: i32) -> (i32, i32, i32) {
    %c0_i32 = arith.constant 0 : i32
    %c0_i32_0 = arith.constant 0 : i32
    %c0_i32_1 = arith.constant 0 : i32
    return %arg0, %c0_i32, %c0_i32_0 : i32, i32, i32
  }
}

module attributes {stable_mosaic.version = 14 : i64} {
  func.func @_expand_body(%arg0: i32, %arg1: i32, %arg2: memref<1x256x1792xf32, #tpu.memory_space<vmem>>, %arg3: memref<1x256x256xf32, #tpu.memory_space<vmem>>, %arg4: memref<1x1x256xi32, #tpu.memory_space<vmem>>, %arg5: memref<1x256x1xi32, #tpu.memory_space<vmem>>, %arg6: memref<8x8xi32, #tpu.memory_space<smem>>, %arg7: memref<1x256x256xf32, #tpu.memory_space<vmem>>, %arg8: memref<1x256x256xf32, #tpu.memory_space<vmem>>, %arg9: memref<1x256x256xf32, #tpu.memory_space<vmem>>, %arg10: memref<1x256x1xf32, #tpu.memory_space<vmem>>) attributes {dimension_semantics = [#tpu.dimension_semantics<arbitrary>, #tpu.dimension_semantics<arbitrary>], iteration_bounds = array<i64: 8, 8>, scalar_prefetch = 0 : i64, scratch_operands = 0 : i64, tpu.core_type = #tpu.core_type<tc>, window_params = [{transform_indices = @transform_0, window_bounds = array<i64: 1, 256, 1792>}, {transform_indices = @transform_1, window_bounds = array<i64: 1, 256, 256>}, {transform_indices = @transform_2, window_bounds = array<i64: 1, 1, 256>}, {transform_indices = @transform_3, window_bounds = array<i64: 1, 256, 1>}, {transform_indices = @transform_4, window_bounds = array<i64: 8, 8>}, {transform_indices = @transform_5, window_bounds = array<i64: 1, 256, 256>}, {transform_indices = @transform_6, window_bounds = array<i64: 1, 256, 256>}, {transform_indices = @transform_7, window_bounds = array<i64: 1, 256, 256>}, {transform_indices = @transform_8, window_bounds = array<i64: 1, 256, 1>}]} {
    %get3A = arith.constant 0 : index
    %get3A_0 = arith.constant 0 : index
    %get3A_1 = arith.constant 0 : index
    %get3A_2 = vector.load %arg4[%get3A, %get3A_0, %get3A_1] : memref<1x1x256xi32, #tpu.memory_space<vmem>>, vector<1x1x256xi32>
    %get3A_3 = vector.shape_cast %get3A_2 : vector<1x1x256xi32> to vector<1x256xi32>
    %get3A_4 = arith.index_cast %arg0 : i32 to index
    %get3A_5 = arith.index_cast %arg1 : i32 to index
    %get3A_6 = memref.load %arg6[%get3A_4, %get3A_5] : memref<8x8xi32, #tpu.memory_space<smem>>
    %multiple_of3A = tpu.assume_multiple %get3A_6, 128 : i32
    %get3A_7 = arith.constant 0 : index
    %get3A_8 = arith.constant 0 : index
    %get3A_9 = arith.index_cast %multiple_of3A : i32 to index
    %get3A_10 = vector.load %arg2[%get3A_7, %get3A_8, %get3A_9] : memref<1x256x1792xf32, #tpu.memory_space<vmem>>, vector<1x256x384xf32>
    %get3A_11 = vector.shape_cast %get3A_10 : vector<1x256x384xf32> to vector<256x384xf32>
    %iota3A = tpu.iota {dimensions = array<i32: 0>} : vector<384x256xi32>
    %add3A = vector.broadcast %multiple_of3A : i32 to vector<384x256xi32>
    %add3A_12 = arith.addi %iota3A, %add3A : vector<384x256xi32>
    %eq3A = vector.broadcast %get3A_3 : vector<1x256xi32> to vector<384x256xi32>
    %eq3A_13 = arith.cmpi eq, %add3A_12, %eq3A : vector<384x256xi32>
    %convert_element_type3A = arith.extui %eq3A_13 : vector<384x256xi1> to vector<384x256xi32>
    %convert_element_type3A_14 = arith.sitofp %convert_element_type3A : vector<384x256xi32> to vector<384x256xf32>
    %dot_general3A = arith.constant dense<0.000000e+00> : vector<256x256xf32>
    %dot_general3A_15 = tpu.matmul %get3A_11, %convert_element_type3A_14, %dot_general3A {dimension_numbers = #tpu.dot_dimension_numbers<[1], [0], [0], [1], [0, 0, 1, 1], [], []>, transpose_lhs_hint = false} : vector<256x384xf32>, vector<384x256xf32>, vector<256x256xf32> -> vector<256x256xf32>
    %swap3A = arith.constant 0 : index
    %swap3A_16 = arith.constant 0 : index
    %swap3A_17 = arith.constant 0 : index
    %swap3A_18 = vector.load %arg7[%swap3A, %swap3A_16, %swap3A_17] : memref<1x256x256xf32, #tpu.memory_space<vmem>>, vector<1x256x256xf32>
    %swap3A_19 = vector.shape_cast %swap3A_18 : vector<1x256x256xf32> to vector<256x256xf32>
    %swap3A_20 = vector.shape_cast %dot_general3A_15 : vector<256x256xf32> to vector<1x256x256xf32>
    tpu.vector_store %arg7[%swap3A, %swap3A_16, %swap3A_17], %swap3A_20 {strides = array<i32>} : memref<1x256x256xf32, #tpu.memory_space<vmem>>, vector<1x256x256xf32>,
    %get3A_21 = arith.constant 0 : index
    %get3A_22 = arith.constant 0 : index
    %get3A_23 = arith.constant 0 : index
    %get3A_24 = vector.load %arg5[%get3A_21, %get3A_22, %get3A_23] : memref<1x256x1xi32, #tpu.memory_space<vmem>>, vector<1x256x1xi32>
    %get3A_25 = vector.shape_cast %get3A_24 : vector<1x256x1xi32> to vector<256x1xi32>
    %eq3A_26 = vector.broadcast %get3A_25 : vector<256x1xi32> to vector<256x256xi32>
    %eq3A_27 = vector.broadcast %get3A_3 : vector<1x256xi32> to vector<256x256xi32>
    %eq3A_28 = arith.cmpi eq, %eq3A_26, %eq3A_27 : vector<256x256xi32>
    %convert_element_type3A_29 = arith.extui %eq3A_28 : vector<256x256xi1> to vector<256x256xi32>
    %convert_element_type3A_30 = arith.sitofp %convert_element_type3A_29 : vector<256x256xi32> to vector<256x256xf32>
    %swap3A_31 = arith.constant 0 : index
    %swap3A_32 = arith.constant 0 : index
    %swap3A_33 = arith.constant 0 : index
    %swap3A_34 = vector.load %arg8[%swap3A_31, %swap3A_32, %swap3A_33] : memref<1x256x256xf32, #tpu.memory_space<vmem>>, vector<1x256x256xf32>
    %swap3A_35 = vector.shape_cast %swap3A_34 : vector<1x256x256xf32> to vector<256x256xf32>
    %swap3A_36 = vector.shape_cast %convert_element_type3A_30 : vector<256x256xf32> to vector<1x256x256xf32>
    tpu.vector_store %arg8[%swap3A_31, %swap3A_32, %swap3A_33], %swap3A_36 {strides = array<i32>} : memref<1x256x256xf32, #tpu.memory_space<vmem>>, vector<1x256x256xf32>,
    %exp3A = math.exp %dot_general3A_15 : vector<256x256xf32>
    %get3A_37 = arith.constant 0 : index
    %get3A_38 = arith.constant 0 : index
    %get3A_39 = arith.constant 0 : index
    %get3A_40 = vector.load %arg3[%get3A_37, %get3A_38, %get3A_39] : memref<1x256x256xf32, #tpu.memory_space<vmem>>, vector<1x256x256xf32>
    %get3A_41 = vector.shape_cast %get3A_40 : vector<1x256x256xf32> to vector<256x256xf32>
    %dot_general3A_42 = arith.constant dense<0.000000e+00> : vector<256x256xf32>
    %dot_general3A_43 = tpu.matmul %exp3A, %get3A_41, %dot_general3A_42 {dimension_numbers = #tpu.dot_dimension_numbers<[0], [0], [1], [1], [0, 1, 1, 1], [], []>, transpose_lhs_hint = false} : vector<256x256xf32>, vector<256x256xf32>, vector<256x256xf32> -> vector<256x256xf32>
    %swap3A_44 = arith.constant 0 : index
    %swap3A_45 = arith.constant 0 : index
    %swap3A_46 = arith.constant 0 : index
    %swap3A_47 = vector.load %arg9[%swap3A_44, %swap3A_45, %swap3A_46] : memref<1x256x256xf32, #tpu.memory_space<vmem>>, vector<1x256x256xf32>
    %swap3A_48 = vector.shape_cast %swap3A_47 : vector<1x256x256xf32> to vector<256x256xf32>
    %swap3A_49 = vector.shape_cast %dot_general3A_43 : vector<256x256xf32> to vector<1x256x256xf32>
    tpu.vector_store %arg9[%swap3A_44, %swap3A_45, %swap3A_46], %swap3A_49 {strides = array<i32>} : memref<1x256x256xf32, #tpu.memory_space<vmem>>, vector<1x256x256xf32>,
    %reduce_sum3A = arith.constant dense<0.000000e+00> : vector<256xf32>
    %reduce_sum3A_50 = vector.multi_reduction <add>, %convert_element_type3A_30, %reduce_sum3A [1] : vector<256x256xf32> to vector<256xf32>
    %broadcast_in_dim3A = vector.shape_cast %reduce_sum3A_50 : vector<256xf32> to vector<256x1xf32>
    %eq3A_51 = arith.constant 0 : i32
    %eq3A_52 = arith.cmpi eq, %arg1, %eq3A_51 : i32
    %convert_element_type3A_53 = arith.extui %eq3A_52 : i1 to i32
    %cond3A = arith.constant 0 : i32
    %cond3A_54 = arith.cmpi ne, %convert_element_type3A_53, %cond3A : i32
    scf.if %cond3A_54 {
      %swap3A_59 = arith.constant 0 : index
      %swap3A_60 = arith.constant 0 : index
      %swap3A_61 = arith.constant 0 : index
      %swap3A_62 = vector.load %arg10[%swap3A_59, %swap3A_60, %swap3A_61] : memref<1x256x1xf32, #tpu.memory_space<vmem>>, vector<1x256x1xf32>
      %swap3A_63 = vector.shape_cast %swap3A_62 : vector<1x256x1xf32> to vector<256x1xf32>
      %swap3A_64 = vector.shape_cast %broadcast_in_dim3A : vector<256x1xf32> to vector<1x256x1xf32>
      tpu.vector_store %arg10[%swap3A_59, %swap3A_60, %swap3A_61], %swap3A_64 {strides = array<i32>} : memref<1x256x1xf32, #tpu.memory_space<vmem>>, vector<1x256x1xf32>,
    } else {
    }
    %gt3A = arith.constant 0 : i32
    %gt3A_55 = arith.cmpi sgt, %arg1, %gt3A : i32
    %convert_element_type3A_56 = arith.extui %gt3A_55 : i1 to i32
    %cond3A_57 = arith.constant 0 : i32
    %cond3A_58 = arith.cmpi ne, %convert_element_type3A_56, %cond3A_57 : i32
    scf.if %cond3A_58 {
      %get3A_59 = arith.constant 0 : index
      %get3A_60 = arith.constant 0 : index
      %get3A_61 = arith.constant 0 : index
      %get3A_62 = vector.load %arg10[%get3A_59, %get3A_60, %get3A_61] : memref<1x256x1xf32, #tpu.memory_space<vmem>>, vector<1x256x1xf32>
      %get3A_63 = vector.shape_cast %get3A_62 : vector<1x256x1xf32> to vector<256x1xf32>
      %add3A_64 = arith.addf %get3A_63, %broadcast_in_dim3A : vector<256x1xf32>
      %swap3A_65 = arith.constant 0 : index
      %swap3A_66 = arith.constant 0 : index
      %swap3A_67 = arith.constant 0 : index
      %swap3A_68 = vector.load %arg10[%swap3A_65, %swap3A_66, %swap3A_67] : memref<1x256x1xf32, #tpu.memory_space<vmem>>, vector<1x256x1xf32>
      %swap3A_69 = vector.shape_cast %swap3A_68 : vector<1x256x1xf32> to vector<256x1xf32>
      %swap3A_70 = vector.shape_cast %add3A_64 : vector<256x1xf32> to vector<1x256x1xf32>
      tpu.vector_store %arg10[%swap3A_65, %swap3A_66, %swap3A_67], %swap3A_70 {strides = array<i32>} : memref<1x256x1xf32, #tpu.memory_space<vmem>>, vector<1x256x1xf32>,
    } else {
    }
    return
  }
  func.func @transform_0(%arg0: i32, %arg1: i32) -> (i32, i32, i32) {
    %c0_i32 = arith.constant 0 : i32
    %c0_i32_0 = arith.constant 0 : i32
    %c0_i32_1 = arith.constant 0 : i32
    return %arg0, %c0_i32, %c0_i32_0 : i32, i32, i32
  }
  func.func @transform_1(%arg0: i32, %arg1: i32) -> (i32, i32, i32) {
    %c0_i32 = arith.constant 0 : i32
    %c0_i32_0 = arith.constant 0 : i32
    %c0_i32_1 = arith.constant 0 : i32
    return %arg0, %c0_i32, %c0_i32_0 : i32, i32, i32
  }
  func.func @transform_2(%arg0: i32, %arg1: i32) -> (i32, i32, i32) {
    %c0_i32 = arith.constant 0 : i32
    %c0_i32_0 = arith.constant 0 : i32
    return %arg0, %c0_i32, %arg1 : i32, i32, i32
  }
  func.func @transform_3(%arg0: i32, %arg1: i32) -> (i32, i32, i32) {
    %c0_i32 = arith.constant 0 : i32
    %c0_i32_0 = arith.constant 0 : i32
    %c0_i32_1 = arith.constant 0 : i32
    return %arg0, %c0_i32, %c0_i32_0 : i32, i32, i32
  }
  func.func @transform_4(%arg0: i32, %arg1: i32) -> (i32, i32) {
    %c0_i32 = arith.constant 0 : i32
    %c0_i32_0 = arith.constant 0 : i32
    %c0_i32_1 = arith.constant 0 : i32
    return %c0_i32, %c0_i32_0 : i32, i32
  }
  func.func @transform_5(%arg0: i32, %arg1: i32) -> (i32, i32, i32) {
    %c0_i32 = arith.constant 0 : i32
    %c0_i32_0 = arith.constant 0 : i32
    return %arg0, %c0_i32, %arg1 : i32, i32, i32
  }
  func.func @transform_6(%arg0: i32, %arg1: i32) -> (i32, i32, i32) {
    %c0_i32 = arith.constant 0 : i32
    %c0_i32_0 = arith.constant 0 : i32
    return %arg0, %c0_i32, %arg1 : i32, i32, i32
  }
  func.func @transform_7(%arg0: i32, %arg1: i32) -> (i32, i32, i32) {
    %c0_i32 = arith.constant 0 : i32
    %c0_i32_0 = arith.constant 0 : i32
    return %arg0, %arg1, %c0_i32 : i32, i32, i32
  }
  func.func @transform_8(%arg0: i32, %arg1: i32) -> (i32, i32, i32) {
    %c0_i32 = arith.constant 0 : i32
    %c0_i32_0 = arith.constant 0 : i32
    %c0_i32_1 = arith.constant 0 : i32
    return %arg0, %c0_i32, %c0_i32_0 : i32, i32, i32
  }
}

</mosaic_0001>

<sc_bundles>
// kernel: gather_offload_async_start.1
scs
__scs_entry_jumppad:
0x0: {  	(pc) =	sbr.rel $0x88, $3  }
0x1: {  	(tag) =	ssettag $0x0;
	lr =	simm.s32 $0x1  }
0x2: {  	[smem:$0x3F96] =	sst lr;
	_ =	strace $0xD0000000  }
0x3: {  	_ = 	snop  }
0x4: {  	_ = 	snop  }
0x5: {  	_ = 	snop  }
0x6: {  	_ = 	snop  }
0x7: {  	_ = 	snop  }
__scs_overlays_trampoline_lowered:
0x8: {  	[smem:$0x3FA5] =	sst s0  }
0x9: {  	[smem:$0x3FA6] =	sst s1  }
0xa: {  	[smem:$0x3FA7] =	sst s2  }
0xb: {  	[smem:$0x3FA8] =	sst s3  }
0xc: {  	[smem:$0x3FA9] =	sst s4  }
0xd: {  	[smem:$0x3FAA] =	sst s5  }
0xe: {  	[smem:$0x3FAB] =	sst s6  }
0xf: {  	[smem:$0x3FAC] =	sst s7  }
0x10: {  	[smem:$0x3FAD] =	sst s8  }
0x11: {  	[smem:$0x3FAE] =	sst s9;
	s0 =	simm.s32 @!p0 $0x0  }
0x12: {  	s1 =	sld [smem:$0x3F94];
	s0 =	simm.s32 @p0 $0x1  }
0x13: {  	[smem:$0x3FAF] =	sst s0;
	s0 =	simm.s32 @!p1 $0x0  }
0x14: {  	s2 =	sld [smem:$0x3F93];
	s0 =	simm.s32 @p1 $0x1  }
0x15: {  	[smem:$0x3FB0] =	sst s0;
	s0 =	simm.s32 @!p2 $0x0  }
0x16: {  	s3 =	sld [smem:$0x3FDB];
	s0 =	simm.s32 @p2 $0x1  }
0x17: {  	s4 =	simm.s32 $0x1BF5;
	[smem:$0x3FB2] =	sst s0  }
0x18: {  	s0 =	sld [smem:$0x3F95];
	_ =	swait.ge [sflag:s4], $0x0  }
0x19: {  	s7 =	sld [smem:$0x3F96]  }
0x1a: {  	s8 =	sadd.s32 $0xFFFFE003, lr  }
0x1b: {  	s9 =	sadd.s32 $0xFFFFFEF7, lr;
	s5 =	simm.s32 $0xFFFFFFFF;
	p2 =	slt.u32 s8, $0xFFFFF086  }
0x1c: {  	p1 =	slt.u32 s9, $0xF7A;
	s5 =	simm.s32 @!p2 $0x0  }
0x1d: {  	s5 =	simm.s32 @p1 $0x1;
	p0 =	seq.s32 s7, s2  }
0x1e: {  	s7 =	smul.u32 @!p0 $0xF7A, s2;
	p2 =	seq.s32 @!p0 s5, $0x0  }
0x1f: {  	s9 =	smul.u32 $0xF7A, s1;
	s8 =	simm.s32 @!p0 $0x1BF5;
	p2 =	por !p2, p0  }
0x20: {  	[sflag:s8] =	ssyncset.s32 @!p0 $0xFFFFF086;
	s6 =	sadd.s32 @!p0 s3, s7;
	s7 =	simm.s32 @!p0 $0x108  }
0x21: {  	s3 =	sadd.s32 s3, s9;
	s6 =	sadd.s32 @!p0 $0x88, s6;
	s7 =	simm.s32 @p2 $0x1082  }
0x22: {  	[simem:s7], [sflag:s8] =	dma.local @!p0 [hbm:s6], $0xF7A  }
0x23: {  	s9 =	sor.u32 $0xD0000000, s2;
	s6 =	simm.s32 $0x108;
	_ =	swait.ge @!p0 [sflag:s8], $0x0  }
0x24: {  	s3 =	sadd.s32 $0x88, s3;
	s6 =	simm.s32 @!p1 $0x1082;
	[sflag:s4] =	ssyncset.s32 $0xFFFFF086  }
0x25: {  	[simem:s6], [sflag:s4] =	dma.local [hbm:s3], $0xF7A  }
0x26: {  	[smem:$0x3F96] =	sst s1;
	(tag) =	ssettag s2;
	_ =	strace s9  }
0x27: {  	s1 =	sld [smem:$0x3FA6]  }
0x28: {  	s2 =	sld [smem:$0x3FA7]  }
0x29: {  	s4 =	sld [smem:$0x3FA9]  }
0x2a: {  	p0 =	seq.s32 s5, $0x0;
	s5 =	sld [smem:$0x3FAA]  }
0x2b: {  	s6 =	sld [smem:$0x3FAB]  }
0x2c: {  	s7 =	sld [smem:$0x3FAC]  }
0x2d: {  	s3 =	simm.s32 $0x108;
	s8 =	sld [smem:$0x3FAD]  }
0x2e: {  	s3 =	simm.s32 @!p0 $0x1082;
	s9 =	sld [smem:$0x3FAE]  }
0x2f: {  	lr =	sadd.s32 s0, s3;
	s0 =	sld [smem:$0x3FA5]  }
0x30: {  	s3 =	sld [smem:$0x3FA8]  }
0x31: {  	[smem:$0x3FB1] =	sst s10  }
0x32: {  	s10 =	sld [smem:$0x3FAF];
	_ =	sdelay $0x3  }
0x33: {  	p0 =	seq.s32 s10, $0x1;
	s10 =	sld [smem:$0x3FB1];
	_ =	sdelay $0x3  }
0x34: {  	[smem:$0x3FB1] =	sst s10  }
0x35: {  	s10 =	sld [smem:$0x3FB0];
	_ =	sdelay $0x3  }
0x36: {  	p1 =	seq.s32 s10, $0x1;
	s10 =	sld [smem:$0x3FB1];
	_ =	sdelay $0x3  }
0x37: {  	[smem:$0x3FB1] =	sst s10  }
0x38: {  	s10 =	sld [smem:$0x3FB2]  }
0x39: {  	_ = 	snop;
	(pc) =	sbr.ind lr, $3  }
0x3a: {  	_ = 	snop  }
0x3b: {  	_ = 	snop  }
0x3c: {  	p2 =	seq.s32 s10, $0x1;
	s10 =	sld [smem:$0x3FB1]  }
0x3d: {  	_ =	shalt  }
0x3e: {  	_ =	shalt  }
0x3f: {  	_ =	shalt  }
0x40: {  	_ =	shalt  }
0x41: {  	_ =	shalt  }
0x42: {  	_ =	shalt  }
0x43: {  	_ =	shalt  }
0x44: {  	_ =	shalt  }
0x45: {  	_ =	shalt  }
0x46: {  	_ =	shalt  }
0x47: {  	_ =	shalt  }
0x48: {  	_ =	shalt  }
0x49: {  	_ =	shalt  }
0x4a: {  	_ =	shalt  }
0x4b: {  	_ =	shalt  }
0x4c: {  	_ =	shalt  }
0x4d: {  	_ =	shalt  }
0x4e: {  	_ =	shalt  }
0x4f: {  	_ =	shalt  }
0x50: {  	_ =	shalt  }
0x51: {  	_ =	shalt  }
0x52: {  	_ =	shalt  }
0x53: {  	_ =	shalt  }
0x54: {  	_ =	shalt  }
0x55: {  	_ =	shalt  }
0x56: {  	_ =	shalt  }
0x57: {  	_ =	shalt  }
0x58: {  	_ =	shalt  }
0x59: {  	_ =	shalt  }
0x5a: {  	_ =	shalt  }
0x5b: {  	_ =	shalt  }
0x5c: {  	_ =	shalt  }
0x5d: {  	_ =	shalt  }
0x5e: {  	_ =	shalt  }
0x5f: {  	_ =	shalt  }
0x60: {  	_ =	shalt  }
0x61: {  	_ =	shalt  }
0x62: {  	_ =	shalt  }
0x63: {  	_ =	shalt  }
0x64: {  	_ =	shalt  }
0x65: {  	_ =	shalt  }
0x66: {  	_ =	shalt  }
0x67: {  	_ =	shalt  }
0x68: {  	_ =	shalt  }
0x69: {  	_ =	shalt  }
0x6a: {  	_ =	shalt  }
0x6b: {  	_ =	shalt  }
0x6c: {  	_ =	shalt  }
0x6d: {  	_ =	shalt  }
0x6e: {  	_ =	shalt  }
0x6f: {  	_ =	shalt  }
0x70: {  	_ =	shalt  }
0x71: {  	_ =	shalt  }
0x72: {  	_ =	shalt  }
0x73: {  	_ =	shalt  }
0x74: {  	_ =	shalt  }
0x75: {  	_ =	shalt  }
0x76: {  	_ =	shalt  }
0x77: {  	_ =	shalt  }
0x78: {  	_ =	shalt  }
0x79: {  	_ =	shalt  }
0x7a: {  	_ =	shalt  }
0x7b: {  	_ =	shalt  }
0x7c: {  	_ =	shalt  }
0x7d: {  	_ =	shalt  }
0x7e: {  	_ =	shalt  }
0x7f: {  	_ =	shalt  }
0x80: {  	_ =	shalt  }
0x81: {  	_ =	shalt  }
0x82: {  	_ =	shalt  }
0x83: {  	_ =	shalt  }
0x84: {  	_ =	shalt  }
0x85: {  	_ =	shalt  }
0x86: {  	_ =	shalt  }
0x87: {  	_ =	shalt  }
.Lfunc_end0:
.L_simem_size_0:
called_computation.1_lowered:
.L_overlay_start_0:
0x88: {  	s2 =	sld [smem:$0x3FD9]  }
0x89: {  	s3 =	sld [smem:$0x3FFE];
	_ =	sdelay $0x1  }
0x8a: {  	s1 =	srdreg.scid  }
0x8b: {  	s0 =	sand.u32 $0x1, s1  }
0x8c: {  	s14 =	sshll.u32 s0, $0xA;
	s2 =	sadd.s32 s3, s2  }
0x8d: {  	s2 =	sadd.s32 s2, s14  }
0x8e: {  	[smem:$0x3FBD] =	sst s2  }
0x8f: {  	_ = 	snop  }
0x90: {  	s2 =	sld [smem:$0x3FD0];
	_ =	sdelay $0x2  }
0x91: {  	s15 =	simm.s32 $0xA;
	s4 =	simm.s32 $0x10  }
0x92: {  	[smem:s4], [sflag:s15] =	dma.local [hbm:s2], $0x1  }
0x93: {  	_ =	swait.eq [sflag:s15], $0x1  }
0x94: {  	[sflag:s15] =	ssyncset.done $0x0  }
0x95: {  	s16 =	sld [smem:$0x10];
	[sflag:s15] =	ssyncadd.s32 $0xFFFFFFFF  }
0x96: {  	s17 =	sld [smem:$0x12];
	(tm) =	ssettm $0x1  }
0x97: {  	s18 =	sld [smem:$0x3FFB];
	_ =	sdelay $0x3  }
0x98: {  	_ =	strace s18  }
0x99: {  	s4 =	sld [smem:$0x3FFC];
	_ =	sdelay $0x3  }
0x9a: {  	_ =	strace s4  }
0x9b: {  	s4 =	sld [smem:$0x3FFD];
	_ =	sdelay $0x3  }
0x9c: {  	_ =	strace s4  }
0x9d: {  	_ =	strace $0x8FFFFFFF  }
0x9e: {  	s19 =	sld [smem:$0x3FDB];
	_ =	sdelay $0x1  }
0x9f: {  	s5 =	simm.s32 $_scs_section_size  }
0xa0: {  	s6 =	simm.s32 $_size__tile_overlayer_lowered;
	s7 =	simm.s32 $_tile_overlayer_lowered  }
0xa1: {  	s22 =	simm.s32 $0x1BFF;
	s21 =	sshll.u32 s7, $0x1;
	s4 =	sadd.s32 s5, s19  }
0xa2: {  	s8 =	simm.s32 $0x0;
	s20 =	sshll.u32 s6, $0x1;
	s6 =	sadd.s32 s21, s4  }
0xa3: {  	[timem:s8], [sflag:s22] =	dma.local [hbm:s6], s20  }
0xa4: {  	_ =	swait.ge [sflag:s22], s20  }
0xa5: {  	s5 =	ssub.s32 $0x0, s20;
	[sflag:s22] =	ssyncset.done $0x0  }
0xa6: {  	[sflag:s22] =	ssyncadd.s32 s5;
	_ =	sdelay $0x1  }
0xa7: {  	s23 =	simm.s32 $0x1B8B  }
0xa8: {  	_ =	swait.ge [sflag:s23], $0x1  }
0xa9: {  	[sflag:s23] =	ssyncset.done $0x0  }
0xaa: {  	s25 =	simm.s32 $0x1B8E;
	s24 =	sld [smem:$0x3FFE];
	[sflag:s23] =	ssyncadd.s32 $0xFFFFFFFF  }
0xab: {  	s26 =	simm.s32 $execute0_lowered;
	[smem:$0x3FD2] =	sst s25  }
0xac: {  	s6 =	sshll.u32 s26, $0x1;
	_ =	strace $0x80000046;
	[dreg:$0x1] =	wrdreg $0xFFFFFFFF  }
0xad: {  	s28 =	simm.s32 $_size_execute0_lowered;
	s4 =	sadd.s32 s4, s6;
	[dreg:$0x0] =	wrdreg $0x0  }
0xae: {  	s6 =	sshll.u32 s28, $0x1;
	[dreg:$0x2] =	wrdreg s4  }
0xaf: {  	[dreg:$0x3] =	wrdreg s6  }
0xb0: {  	[dreg:$0x4] =	wrdreg $0xC0  }
0xb1: {  	_ =	task [dreg:s8], $0x5FFFF  }
0xb2: {  	[dreg:$0x1] =	wrdreg $0xFFFFFFFF  }
0xb3: {  	[dreg:$0x0] =	wrdreg $0x60  }
0xb4: {  	[dreg:$0x2] =	wrdreg s16  }
0xb5: {  	[dreg:$0x3] =	wrdreg s24  }
0xb6: {  	[dreg:$0x4] =	wrdreg s17  }
0xb7: {  	[dreg:$0x5] =	wrdreg $0x9  }
0xb8: {  	_ =	task.clear_ibuf [dreg:s8], $0x6FFFF;
	_ =	strace $0x90000046  }
0xb9: {  	s29 =	simm.s32 $0x9;
	_ =	strace $0x80000048  }
0xba: {  	_ =	swait.ge [sflag:s29], $0x1  }
0xbb: {  	[sflag:s29] =	ssyncadd.s32 $0xFFFFFFFF  }
0xbc: {  	_ =	strace $0x90000048  }
0xbd: {  	_ =	sfence  }
0xbe: {  	s30 =	sld [smem:$0x0];
	_ =	sdelay $0x2  }
0xbf: {  	s31 =	sshll.u32 s1, $0xD;
	s1 =	sshrl.u32 s1, $0x2  }
0xc0: {  	s3 =	sand.u32 $0x4000, s31;
	s1 =	sadd.s32 s1, s30  }
0xc1: {  	s0 =	sor.u32 s3, s0;
	s1 =	sshll.u32 s1, $0x11  }
0xc2: {  	s0 =	sor.u32 s1, s0  }
0xc3: {  	s0 =	sadd.s32 $0x8F2B, s0  }
0xc4: {  	[sflag:s0] =	ssyncadd.remote.s32 $0x1  }
0xc5: {  	_ =	sfence.sel $0xFFFF  }
0xc6: {  	[dreg:$0x0] =	wrdreg $0xFFFFFFFF;
	(pc) =	sbr.abs _section_cstart, $3  }
0xc7: {  	[dreg:$0x1] =	wrdreg $0xFFFFFFFF  }
0xc8: {  	_ =	task.clear_ibuf [dreg:s8], $0x2FFFF;
	_ =	strace $0x9FFFFFFF  }
0xc9: {  	(tm) =	ssettm $0x7FFFFFFF  }
tec
execute0_lowered:
.L_overlay_start_1:
0x0: {  	(tag) =	ssettag $0x1  }
0x1: {  	s2 =	rddreg [dreg:$0x0]  }
0x2: {  	s7 =	rddreg [dreg:$0x1];
	s0 =	srdreg.scid  }
0x3: {  	s3 =	rddreg [dreg:$0x2];
	s1 =	stileid.u32;
	s6 =	simm.s32 $0x2  }
0x4: {  	s4 =	sshll.u32 s0, $0x4;
	s0 =	rddreg [dreg:$0x3];
	_ =	strace $0x80000047  }
.Ltmp0:
0x5: {  	s5 =	sand.u32 $0x10, s4;
	s4 =	simm.s32 $0x1;
	(pc) =	sbr.rel .LBB2_1-.Ltmp0, $4  }
0x6: {  	s9 =	simm.s32 $0x3;
	s5 =	sor.u32 s1, s5;
	[sflag:s4] =	ssyncpa.u1 $0x0  }
0x7: {  	s12 =	simm.s32 $0x0;
	s5 =	smul.u32 $0x1C0, s5;
	[sflag:s6] =	ssyncpa.u1 $0x0  }
0x8: {  	s10 =	simm.s32 $0x0;
	s7 =	sadd.s32 $0x200, s7;
	[sflag:s9] =	ssyncpa.u1 $0x0  }
0x9: {  	vm0 =	vmmov $0xff;
	vm1 =	vcmask $0x3F20;
	s9 =	simm.s32 $0x1C0;
	s8 =	sadd.s32 $0x1C0, s5;
	s11 =	smov.u32 s5  }
.LBB2_10:
0xa: {  	s12 =	sshrl.u32 s11, $0x3  }
0xb: {  	s13 =	sand.u32 $0x7, s11;
	s12 =	sadd.s32 s7, s12  }
0xc: {  	[tilespmem:s9], [sflag:$0x2] =	stream.linear.gather [hbm4b:s12+s13], $0x1C0, $0x38;
	[tilespmem:$0x1C380] =	vst v63  }
.LBB2_8:
0xd: {  	s12 =	sadd.s32 $0x1C0, s11  }
0xe: {  	s13 =	smov.u32 s5;
	p0 =	slt.s32 s12, s8  }
0xf: {  	s13 =	smov.u32 @p0 s12  }
0x10: {  	s10 =	sadd.s32 $0x1, s10;
	s12 =	smov.u32 s11;
	s11 =	smov.u32 s13  }
.LBB2_1:
0x11: {  	p0 =	seq.s32 s10, $0x0  }
.Ltmp1:
0x12: {  	_ = 	snop;
	(pc) =	sbr.rel @p0 .LBB2_10-.Ltmp1, $1  }
0x13: {  	_ =	sdelay $0x3  }
0x14: {  	p0 =	seq.s32 s10, $0x1  }
.Ltmp2:
0x15: {  	_ = 	snop;
	(pc) =	sbr.rel @!p0 .LBB2_9-.Ltmp2, $1  }
0x16: {  	_ =	sdelay $0x3  }
0x17: {  	_ =	swait.ge [sflag:s6], $0x1C0  }
0x18: {  	[sflag:s6] =	ssyncset.done $0x0  }
0x19: {  	s13 =	simm.s32 $0x0;
	[sflag:s6] =	ssyncadd.s32 $0xFFFFFE40  }
0x1a: {  	v0 =	vld.msk [tilespmem:s13+$0x1C0 ss:$0x1], $0xffff;
	_ =	sdelay $0x4  }
0x1b: {  	v1 =	vshll.u32 v0, $0x4  }
0x1c: {  	vm2 =	veq.s32 v0, $0x80000000;
	v0 =	vshll.u32 v0, $0x12;
	v1 =	vand.u32 $0x3FF80, v1  }
0x1d: {  	v0 =	vand.u32 $0x1C0000, v0;
	v1 =	vsel vm2, $0xFFFFFF80, v1  }
0x1e: {  	v0 =	vsel vm2, $0xFFFC0000, v0;
	v2 =	vand.u32 $0xFFFFFC00, v1  }
0x1f: {  	v1 =	vand.u32 $0x380, v1;
	v0 =	vadd.s32 v0, v2  }
0x20: {  	v0 =	vor.u32 v1, v0  }
0x21: {  	v0 =	vshrl.u32 v0, $0x3;
	_ =	sdelay $0x3  }
0x22: {  	s13 =	simm.s32 $0xE380  }
0x23: {  	[tilespmem:s13], [sflag:$0x1] =	stream.indirect_vreg.gather [hbm:s2], $0x80, v0, vm0, $0x38;
	[tilespmem:$0x1C380] =	vst v63  }
0x24: {  	s14 =	simm.s32 $0xE780;
	s31 =	simm.s32 $0x10  }
0x25: {  	[tilespmem:s14], [sflag:$0x1] =	stream.indirect_vreg.gather [hbm:s2], $0x80, v0, vm1, $0x38;
	[tilespmem:$0x1C380] =	vst v63  }
0x26: {  	s14 =	simm.s32 $0x80;
	v0 =	vld.msk [tilespmem:s31+$0x1C0 ss:$0x1], $0xffff  }
.LBB2_4:
0x27: {  	p0 =	sne.s32 s14, $0x6C0;
	_ =	sdelay $0x4  }
0x28: {  	v1 =	vshll.u32 v0, $0x4  }
0x29: {  	vm2 =	veq.s32 v0, $0x80000000;
	v0 =	vshll.u32 v0, $0x12;
	v1 =	vand.u32 $0x3FF80, v1  }
0x2a: {  	v0 =	vand.u32 $0x1C0000, v0;
	v1 =	vsel vm2, $0xFFFFFF80, v1  }
0x2b: {  	v0 =	vsel vm2, $0xFFFC0000, v0;
	v2 =	vand.u32 $0xFFFFFC00, v1  }
0x2c: {  	v1 =	vand.u32 $0x380, v1;
	v0 =	vadd.s32 v0, v2  }
0x2d: {  	v0 =	vor.u32 v1, v0  }
0x2e: {  	v0 =	vshrl.u32 v0, $0x3;
	_ =	sdelay $0x3  }
.Ltmp3:
0x2f: {  	s13 =	sadd.s32 $0x800, s13;
	(pc) =	sbr.rel @p0 .LBB2_4-.Ltmp3, $4  }
0x30: {  	[tilespmem:s13], [sflag:$0x1] =	stream.indirect_vreg.gather [hbm:s2], $0x80, v0, vm0, $0x38;
	[tilespmem:$0x1C380] =	vst v63  }
0x31: {  	s15 =	sshra.s32 s14, $0x2;
	s16 =	sadd.s32 $0x400, s13  }
0x32: {  	[tilespmem:s16], [sflag:$0x1] =	stream.indirect_vreg.gather [hbm:s2], $0x80, v0, vm1, $0x38;
	[tilespmem:$0x1C380] =	vst v63  }
0x33: {  	s14 =	sadd.s32 $0x40, s14;
	v0 =	vld.msk [tilespmem:s15+$0x1C0 ss:$0x1], $0xffff  }
0x34: {  	_ =	sdelay $0x3  }
0x35: {  	v1 =	vshll.u32 v0, $0x4  }
0x36: {  	vm2 =	veq.s32 v0, $0x80000000;
	v63 =	vshll.u32 v0, $0x12;
	v1 =	vand.u32 $0x3FF80, v1  }
0x37: {  	v0 =	vand.u32 $0x1C0000, v63;
	v1 =	vsel vm2, $0xFFFFFF80, v1  }
0x38: {  	v0 =	vsel vm2, $0xFFFC0000, v0;
	v2 =	vand.u32 $0xFFFFFC00, v1  }
0x39: {  	v1 =	vand.u32 $0x380, v1;
	v0 =	vadd.s32 v0, v2  }
0x3a: {  	v0 =	vor.u32 v1, v0  }
0x3b: {  	v0 =	vshrl.u32 v0, $0x3;
	_ =	sdelay $0x3  }
0x3c: {  	s13 =	sadd.s32 $0x800, s13  }
0x3d: {  	[tilespmem:s13], [sflag:$0x1] =	stream.indirect_vreg.gather [hbm:s2], $0x80, v0, vm0, $0x38;
	[tilespmem:$0x1C380] =	vst v63  }
0x3e: {  	s13 =	sadd.s32 $0x400, s13  }
0x3f: {  	[tilespmem:s13], [sflag:$0x1] =	stream.indirect_vreg.gather [hbm:s2], $0x80, v0, vm1, $0x38;
	[tilespmem:$0x1C380] =	vst v63  }
0x40: {  	s12 =	sshll.u32 s12, $0x4;
	s14 =	simm.s32 $0x80;
	_ =	swait.ge [sflag:s4], $0xE000  }
0x41: {  	s15 =	simm.s32 $0xE780;
	s12 =	sadd.s32 s12, s3;
	[sflag:s4] =	ssyncset.done $0x0  }
0x42: {  	s16 =	sadd.s32 $0x0, s12;
	s13 =	simm.s32 $0xE380;
	[sflag:s4] =	ssyncadd.s32 $0xFFFF2000  }
.LBB2_6:
0x43: {  	[hbm:s16] =	stream.linear.scatter [tilespmem:s13], [sflag:$0x3], $0x400, $0x38;
	[tilespmem:$0x1C380] =	vst v63  }
0x44: {  	s16 =	smov.u32 s14;
	s13 =	smov.u32 s15;
	p0 =	seq.s32 s14, $0x1B80  }
.Ltmp4:
0x45: {  	s14 =	sadd.s32 $0x80, s14;
	(pc) =	sbr.rel @!p0 .LBB2_6-.Ltmp4, $2  }
0x46: {  	_ =	sdelay $0x2  }
0x47: {  	s15 =	sadd.s32 $0x400, s15;
	s16 =	sadd.s32 s16, s12  }
.Ltmp5:
0x48: {  	(pc) =	sbr.rel .LBB2_8-.Ltmp5, $2  }
0x49: {  	_ =	sdelay $0x2  }
0x4a: {  	[hbm:s16] =	stream.linear.scatter [tilespmem:s13], [sflag:$0x3], $0x400, $0x38;
	[tilespmem:$0x1C380] =	vst v63  }
.LBB2_9:
0x4b: {  	s2 =	simm.s32 $0x3  }
0x4c: {  	_ =	swait.ge [sflag:s2], $0xE000  }
0x4d: {  	[sflag:s2] =	ssyncset.done $0x0  }
0x4e: {  	[sflag:s2] =	ssyncadd.s32 $0xFFFF2000  }
0x4f: {  	_ =	sfence.sel $0x180000  }
0x50: {  	s3 =	simm.s32 $0x2;
	[bflag:$0x0] =	sbarrier.arrive $0xFFFF  }
0x51: {  	[sflag:s3] =	ssyncpa.u1 $0x1  }
0x52: {  	s31 =	simm.s32 $0x1;
	[sflag:s2] =	ssyncpa.u1 $0x1  }
0x53: {  	[sflag:s31] =	ssyncpa.u1 $0x1  }
0x54: {  	p0 =	sne.s32 s1, $0x0;
	_ =	strace $0x90000047  }
0x55: {  	s0 =	sadd.s32 @!p0 $0x100000, s0;
	[bflag:$0x2] =	sbarrier.arrive $0xFFFF  }
0x56: {  	[sflag:s0] =	ssyncadd.tile.s32 @!p0 $0x1;
	_ =	shalt  }
.Lfunc_end2:
_tile_overlayer_lowered:
.L_overlay_start_2:
0x57: {  	(tag) =	ssettag $0x2  }
0x58: {  	s0 =	rddreg [dreg:$0x0];
	s2 =	stileid.u32  }
0x59: {  	s1 =	rddreg [dreg:$0x1];
	p0 =	sne.s32 s2, $0x0  }
0x5a: {  	s3 =	rddreg [dreg:$0x2];
	[bflag:$0x3] =	sbarrier.arrive $0xFFFF;
	s2 =	simm.s32 @!p0 $0x1C01  }
0x5b: {  	[timem:s3], [sflag:s2] =	dma.local @!p0 [hbm:s0], s1  }
0x5c: {  	s0 =	simm.s32 @!p0 $0x1  }
0x5d: {  	_ =	swait.ge @!p0 [sflag:s0], s1  }
0x5e: {  	s1 =	ssub.s32 @!p0 $0x0, s1;
	[sflag:s0] =	ssyncset.done @!p0 $0x0  }
0x5f: {  	[sflag:s0] =	ssyncadd.s32 @!p0 s1  }
0x60: {  	[bflag:$0x3] =	sbarrier.arrive $0xFFFF  }
0x61: {  	_ =	shalt  }

// kernel: gather_offload_async_start
scs
__scs_entry_jumppad:
0x0: {  	(pc) =	sbr.rel $0x88, $3  }
0x1: {  	(tag) =	ssettag $0x0;
	lr =	simm.s32 $0x1  }
0x2: {  	[smem:$0x3F96] =	sst lr;
	_ =	strace $0xD0000000  }
0x3: {  	_ = 	snop  }
0x4: {  	_ = 	snop  }
0x5: {  	_ = 	snop  }
0x6: {  	_ = 	snop  }
0x7: {  	_ = 	snop  }
__scs_overlays_trampoline_lowered:
0x8: {  	[smem:$0x3FA5] =	sst s0  }
0x9: {  	[smem:$0x3FA6] =	sst s1  }
0xa: {  	[smem:$0x3FA7] =	sst s2  }
0xb: {  	[smem:$0x3FA8] =	sst s3  }
0xc: {  	[smem:$0x3FA9] =	sst s4  }
0xd: {  	[smem:$0x3FAA] =	sst s5  }
0xe: {  	[smem:$0x3FAB] =	sst s6  }
0xf: {  	[smem:$0x3FAC] =	sst s7  }
0x10: {  	[smem:$0x3FAD] =	sst s8  }
0x11: {  	[smem:$0x3FAE] =	sst s9;
	s0 =	simm.s32 @!p0 $0x0  }
0x12: {  	s1 =	sld [smem:$0x3F94];
	s0 =	simm.s32 @p0 $0x1  }
0x13: {  	[smem:$0x3FAF] =	sst s0;
	s0 =	simm.s32 @!p1 $0x0  }
0x14: {  	s2 =	sld [smem:$0x3F93];
	s0 =	simm.s32 @p1 $0x1  }
0x15: {  	[smem:$0x3FB0] =	sst s0;
	s0 =	simm.s32 @!p2 $0x0  }
0x16: {  	s3 =	sld [smem:$0x3FDB];
	s0 =	simm.s32 @p2 $0x1  }
0x17: {  	s4 =	simm.s32 $0x1BF5;
	[smem:$0x3FB2] =	sst s0  }
0x18: {  	s0 =	sld [smem:$0x3F95];
	_ =	swait.ge [sflag:s4], $0x0  }
0x19: {  	s7 =	sld [smem:$0x3F96]  }
0x1a: {  	s8 =	sadd.s32 $0xFFFFE003, lr  }
0x1b: {  	s9 =	sadd.s32 $0xFFFFFEF7, lr;
	s5 =	simm.s32 $0xFFFFFFFF;
	p2 =	slt.u32 s8, $0xFFFFF086  }
0x1c: {  	p1 =	slt.u32 s9, $0xF7A;
	s5 =	simm.s32 @!p2 $0x0  }
0x1d: {  	s5 =	simm.s32 @p1 $0x1;
	p0 =	seq.s32 s7, s2  }
0x1e: {  	s7 =	smul.u32 @!p0 $0xF7A, s2;
	p2 =	seq.s32 @!p0 s5, $0x0  }
0x1f: {  	s9 =	smul.u32 $0xF7A, s1;
	s8 =	simm.s32 @!p0 $0x1BF5;
	p2 =	por !p2, p0  }
0x20: {  	[sflag:s8] =	ssyncset.s32 @!p0 $0xFFFFF086;
	s6 =	sadd.s32 @!p0 s3, s7;
	s7 =	simm.s32 @!p0 $0x108  }
0x21: {  	s3 =	sadd.s32 s3, s9;
	s6 =	sadd.s32 @!p0 $0x88, s6;
	s7 =	simm.s32 @p2 $0x1082  }
0x22: {  	[simem:s7], [sflag:s8] =	dma.local @!p0 [hbm:s6], $0xF7A  }
0x23: {  	s9 =	sor.u32 $0xD0000000, s2;
	s6 =	simm.s32 $0x108;
	_ =	swait.ge @!p0 [sflag:s8], $0x0  }
0x24: {  	s3 =	sadd.s32 $0x88, s3;
	s6 =	simm.s32 @!p1 $0x1082;
	[sflag:s4] =	ssyncset.s32 $0xFFFFF086  }
0x25: {  	[simem:s6], [sflag:s4] =	dma.local [hbm:s3], $0xF7A  }
0x26: {  	[smem:$0x3F96] =	sst s1;
	(tag) =	ssettag s2;
	_ =	strace s9  }
0x27: {  	s1 =	sld [smem:$0x3FA6]  }
0x28: {  	s2 =	sld [smem:$0x3FA7]  }
0x29: {  	s4 =	sld [smem:$0x3FA9]  }
0x2a: {  	p0 =	seq.s32 s5, $0x0;
	s5 =	sld [smem:$0x3FAA]  }
0x2b: {  	s6 =	sld [smem:$0x3FAB]  }
0x2c: {  	s7 =	sld [smem:$0x3FAC]  }
0x2d: {  	s3 =	simm.s32 $0x108;
	s8 =	sld [smem:$0x3FAD]  }
0x2e: {  	s3 =	simm.s32 @!p0 $0x1082;
	s9 =	sld [smem:$0x3FAE]  }
0x2f: {  	lr =	sadd.s32 s0, s3;
	s0 =	sld [smem:$0x3FA5]  }
0x30: {  	s3 =	sld [smem:$0x3FA8]  }
0x31: {  	[smem:$0x3FB1] =	sst s10  }
0x32: {  	s10 =	sld [smem:$0x3FAF];
	_ =	sdelay $0x3  }
0x33: {  	p0 =	seq.s32 s10, $0x1;
	s10 =	sld [smem:$0x3FB1];
	_ =	sdelay $0x3  }
0x34: {  	[smem:$0x3FB1] =	sst s10  }
0x35: {  	s10 =	sld [smem:$0x3FB0];
	_ =	sdelay $0x3  }
0x36: {  	p1 =	seq.s32 s10, $0x1;
	s10 =	sld [smem:$0x3FB1];
	_ =	sdelay $0x3  }
0x37: {  	[smem:$0x3FB1] =	sst s10  }
0x38: {  	s10 =	sld [smem:$0x3FB2]  }
0x39: {  	_ = 	snop;
	(pc) =	sbr.ind lr, $3  }
0x3a: {  	_ = 	snop  }
0x3b: {  	_ = 	snop  }
0x3c: {  	p2 =	seq.s32 s10, $0x1;
	s10 =	sld [smem:$0x3FB1]  }
0x3d: {  	_ =	shalt  }
0x3e: {  	_ =	shalt  }
0x3f: {  	_ =	shalt  }
0x40: {  	_ =	shalt  }
0x41: {  	_ =	shalt  }
0x42: {  	_ =	shalt  }
0x43: {  	_ =	shalt  }
0x44: {  	_ =	shalt  }
0x45: {  	_ =	shalt  }
0x46: {  	_ =	shalt  }
0x47: {  	_ =	shalt  }
0x48: {  	_ =	shalt  }
0x49: {  	_ =	shalt  }
0x4a: {  	_ =	shalt  }
0x4b: {  	_ =	shalt  }
0x4c: {  	_ =	shalt  }
0x4d: {  	_ =	shalt  }
0x4e: {  	_ =	shalt  }
0x4f: {  	_ =	shalt  }
0x50: {  	_ =	shalt  }
0x51: {  	_ =	shalt  }
0x52: {  	_ =	shalt  }
0x53: {  	_ =	shalt  }
0x54: {  	_ =	shalt  }
0x55: {  	_ =	shalt  }
0x56: {  	_ =	shalt  }
0x57: {  	_ =	shalt  }
0x58: {  	_ =	shalt  }
0x59: {  	_ =	shalt  }
0x5a: {  	_ =	shalt  }
0x5b: {  	_ =	shalt  }
0x5c: {  	_ =	shalt  }
0x5d: {  	_ =	shalt  }
0x5e: {  	_ =	shalt  }
0x5f: {  	_ =	shalt  }
0x60: {  	_ =	shalt  }
0x61: {  	_ =	shalt  }
0x62: {  	_ =	shalt  }
0x63: {  	_ =	shalt  }
0x64: {  	_ =	shalt  }
0x65: {  	_ =	shalt  }
0x66: {  	_ =	shalt  }
0x67: {  	_ =	shalt  }
0x68: {  	_ =	shalt  }
0x69: {  	_ =	shalt  }
0x6a: {  	_ =	shalt  }
0x6b: {  	_ =	shalt  }
0x6c: {  	_ =	shalt  }
0x6d: {  	_ =	shalt  }
0x6e: {  	_ =	shalt  }
0x6f: {  	_ =	shalt  }
0x70: {  	_ =	shalt  }
0x71: {  	_ =	shalt  }
0x72: {  	_ =	shalt  }
0x73: {  	_ =	shalt  }
0x74: {  	_ =	shalt  }
0x75: {  	_ =	shalt  }
0x76: {  	_ =	shalt  }
0x77: {  	_ =	shalt  }
0x78: {  	_ =	shalt  }
0x79: {  	_ =	shalt  }
0x7a: {  	_ =	shalt  }
0x7b: {  	_ =	shalt  }
0x7c: {  	_ =	shalt  }
0x7d: {  	_ =	shalt  }
0x7e: {  	_ =	shalt  }
0x7f: {  	_ =	shalt  }
0x80: {  	_ =	shalt  }
0x81: {  	_ =	shalt  }
0x82: {  	_ =	shalt  }
0x83: {  	_ =	shalt  }
0x84: {  	_ =	shalt  }
0x85: {  	_ =	shalt  }
0x86: {  	_ =	shalt  }
0x87: {  	_ =	shalt  }
.Lfunc_end0:
.L_simem_size_0:
called_computation_lowered:
.L_overlay_start_0:
0x88: {  	s2 =	sld [smem:$0x3FD9]  }
0x89: {  	s3 =	sld [smem:$0x3FFE];
	_ =	sdelay $0x1  }
0x8a: {  	s1 =	srdreg.scid  }
0x8b: {  	s0 =	sand.u32 $0x1, s1  }
0x8c: {  	s14 =	sshll.u32 s0, $0xA;
	s2 =	sadd.s32 s3, s2  }
0x8d: {  	s2 =	sadd.s32 s2, s14  }
0x8e: {  	[smem:$0x3FBD] =	sst s2  }
0x8f: {  	_ = 	snop  }
0x90: {  	s2 =	sld [smem:$0x3FD0];
	_ =	sdelay $0x2  }
0x91: {  	s15 =	simm.s32 $0xA;
	s4 =	simm.s32 $0x10  }
0x92: {  	[smem:s4], [sflag:s15] =	dma.local [hbm:s2], $0x1  }
0x93: {  	_ =	swait.eq [sflag:s15], $0x1  }
0x94: {  	[sflag:s15] =	ssyncset.done $0x0  }
0x95: {  	s16 =	sld [smem:$0x11];
	[sflag:s15] =	ssyncadd.s32 $0xFFFFFFFF  }
0x96: {  	s17 =	sld [smem:$0x12];
	(tm) =	ssettm $0x1  }
0x97: {  	s18 =	sld [smem:$0x3FFB];
	_ =	sdelay $0x3  }
0x98: {  	_ =	strace s18  }
0x99: {  	s4 =	sld [smem:$0x3FFC];
	_ =	sdelay $0x3  }
0x9a: {  	_ =	strace s4  }
0x9b: {  	s4 =	sld [smem:$0x3FFD];
	_ =	sdelay $0x3  }
0x9c: {  	_ =	strace s4  }
0x9d: {  	_ =	strace $0x8FFFFFFF  }
0x9e: {  	s19 =	sld [smem:$0x3FDB];
	_ =	sdelay $0x1  }
0x9f: {  	s5 =	simm.s32 $_scs_section_size  }
0xa0: {  	s6 =	simm.s32 $_size__tile_overlayer_lowered;
	s7 =	simm.s32 $_tile_overlayer_lowered  }
0xa1: {  	s22 =	simm.s32 $0x1BFF;
	s21 =	sshll.u32 s7, $0x1;
	s4 =	sadd.s32 s5, s19  }
0xa2: {  	s8 =	simm.s32 $0x0;
	s20 =	sshll.u32 s6, $0x1;
	s6 =	sadd.s32 s21, s4  }
0xa3: {  	[timem:s8], [sflag:s22] =	dma.local [hbm:s6], s20  }
0xa4: {  	_ =	swait.ge [sflag:s22], s20  }
0xa5: {  	s5 =	ssub.s32 $0x0, s20;
	[sflag:s22] =	ssyncset.done $0x0  }
0xa6: {  	[sflag:s22] =	ssyncadd.s32 s5;
	_ =	sdelay $0x1  }
0xa7: {  	s23 =	simm.s32 $0x1B8B  }
0xa8: {  	_ =	swait.ge [sflag:s23], $0x1  }
0xa9: {  	[sflag:s23] =	ssyncset.done $0x0  }
0xaa: {  	s25 =	simm.s32 $0x1B8E;
	s24 =	sld [smem:$0x3FFE];
	[sflag:s23] =	ssyncadd.s32 $0xFFFFFFFF  }
0xab: {  	s26 =	simm.s32 $execute0_lowered;
	[smem:$0x3FD2] =	sst s25  }
0xac: {  	s6 =	sshll.u32 s26, $0x1;
	_ =	strace $0x80000049;
	[dreg:$0x1] =	wrdreg $0xFFFFFFFF  }
0xad: {  	s28 =	simm.s32 $_size_execute0_lowered;
	s4 =	sadd.s32 s4, s6;
	[dreg:$0x0] =	wrdreg $0x0  }
0xae: {  	s6 =	sshll.u32 s28, $0x1;
	[dreg:$0x2] =	wrdreg s4  }
0xaf: {  	[dreg:$0x3] =	wrdreg s6  }
0xb0: {  	[dreg:$0x4] =	wrdreg $0xC0  }
0xb1: {  	_ =	task [dreg:s8], $0x5FFFF  }
0xb2: {  	[dreg:$0x1] =	wrdreg $0xFFFFFFFF  }
0xb3: {  	[dreg:$0x0] =	wrdreg $0x60  }
0xb4: {  	[dreg:$0x2] =	wrdreg s24  }
0xb5: {  	[dreg:$0x3] =	wrdreg s17  }
0xb6: {  	[dreg:$0x4] =	wrdreg s16  }
0xb7: {  	[dreg:$0x5] =	wrdreg $0x9  }
0xb8: {  	_ =	task.clear_ibuf [dreg:s8], $0x6FFFF;
	_ =	strace $0x90000049  }
0xb9: {  	s29 =	simm.s32 $0x9;
	_ =	strace $0x8000004B  }
0xba: {  	_ =	swait.ge [sflag:s29], $0x1  }
0xbb: {  	[sflag:s29] =	ssyncadd.s32 $0xFFFFFFFF  }
0xbc: {  	_ =	strace $0x9000004B  }
0xbd: {  	_ =	sfence  }
0xbe: {  	s30 =	sld [smem:$0x0];
	_ =	sdelay $0x2  }
0xbf: {  	s31 =	sshll.u32 s1, $0xD;
	s1 =	sshrl.u32 s1, $0x2  }
0xc0: {  	s3 =	sand.u32 $0x4000, s31;
	s1 =	sadd.s32 s1, s30  }
0xc1: {  	s0 =	sor.u32 s3, s0;
	s1 =	sshll.u32 s1, $0x11  }
0xc2: {  	s0 =	sor.u32 s1, s0  }
0xc3: {  	s0 =	sadd.s32 $0x8F2B, s0  }
0xc4: {  	[sflag:s0] =	ssyncadd.remote.s32 $0x1  }
0xc5: {  	_ =	sfence.sel $0xFFFF  }
0xc6: {  	[dreg:$0x0] =	wrdreg $0xFFFFFFFF;
	(pc) =	sbr.abs _section_cstart, $3  }
0xc7: {  	[dreg:$0x1] =	wrdreg $0xFFFFFFFF  }
0xc8: {  	_ =	task.clear_ibuf [dreg:s8], $0x2FFFF;
	_ =	strace $0x9FFFFFFF  }
0xc9: {  	(tm) =	ssettm $0x7FFFFFFF  }
tec
execute0_lowered:
.L_overlay_start_1:
0x0: {  	(tag) =	ssettag $0x1  }
0x1: {  	s5 =	rddreg [dreg:$0x0]  }
0x2: {  	s1 =	srdreg.scid;
	s2 =	rddreg [dreg:$0x1]  }
0x3: {  	s0 =	stileid.u32;
	s3 =	rddreg [dreg:$0x2]  }
0x4: {  	s9 =	simm.s32 $0x1;
	s10 =	simm.s32 $0x3;
	s1 =	sshll.u32 s1, $0x8  }
0x5: {  	s13 =	simm.s32 $0x0;
	s4 =	sshll.u32 s0, $0x9;
	s6 =	sand.u32 $0x100, s1  }
0x6: {  	s12 =	simm.s32 $0x0;
	s5 =	sadd.s32 $0xA00, s5;
	s4 =	sor.u32 s4, s6  }
0x7: {  	s1 =	rddreg [dreg:$0x3];
	_ =	strace $0x8000004A;
	s8 =	ssub.s32 $0x4000, s4  }
.Ltmp0:
0x8: {  	s6 =	simm.s32 $0x1;
	s7 =	sand.u32 $0x1F00, s8;
	(pc) =	sbr.rel .LBB2_1-.Ltmp0, $4  }
0x9: {  	[sflag:s6] =	ssyncpa.u1 $0x0;
	s11 =	smov.u32 s4;
	p0 =	sne.s32 s7, $0x0  }
0xa: {  	s8 =	sshrl.u32 s8, $0xD;
	s7 =	simm.s32 $0x2;
	s9 =	simm.s32 @!p0 $0x0  }
0xb: {  	[sflag:s7] =	ssyncpa.u1 $0x0;
	p0 =	por $0x0, $0x0;
	s8 =	sadd.s32 s9, s8  }
0xc: {  	vm0 =	vmmov $0xffff;
	[sflag:s10] =	ssyncpa.u1 $0x0;
	s10 =	simm.s32 $0x0;
	s9 =	sadd.s32 $0x1, s8  }
.LBB2_4:
0xd: {  	vm1 =	veq.s32 v4, $0x80000000;
	v56 =	vand.u32 $0x7, v4;
	v6 =	vand.u32 $0x7FF, v6  }
0xe: {  	v2 =	vor.u32 v2, v5;
	v59 =	vshrl.u32 v1, $0x3;
	v60 =	vand.u32 $0x7, v1  }
0xf: {  	v4 =	vsel vm1, $0xFFFFFFFF, v56;
	v6 =	vsel vm1, $0xFFFFFFFF, v6;
	v2 =	vor.u32 v3, v2  }
0x10: {  	vm1 =	veq.s32 v1, $0x80000000;
	v5 =	vand.u32 $0x7FF, v59;
	v7 =	vshrl.u32 v4, $0x3  }
0x11: {  	v57 =	vshll.u32 v6, $0x3;
	v4 =	vshll.u32 v4, $0x7;
	v1 =	vsel vm1, $0xFFFFFFFF, v60  }
0x12: {  	v5 =	vsel vm1, $0xFFFFFFFF, v5;
	v6 =	vand.u32 $0x7F, v6;
	v7 =	vmul.u32 $0x3800, v7  }
0x13: {  	v58 =	vand.u32 $0xFFFFFC00, v57;
	v4 =	vand.u32 $0x380, v4;
	v61 =	vshrl.u32 v1, $0x3  }
0x14: {  	v62 =	vshll.u32 v5, $0x3;
	v3 =	vadd.s32 v7, v58;
	v7 =	vmul.u32 $0x3800, v61  }
0x15: {  	v1 =	vshll.u32 v1, $0x7;
	v3 =	vor.u32 v4, v3;
	v4 =	vand.u32 $0xFFFFFC00, v62  }
0x16: {  	v1 =	vand.u32 $0x380, v1;
	v3 =	vor.u32 v6, v3;
	v4 =	vadd.s32 v7, v4  }
0x17: {  	[tilespmem:s16], [sflag:$0x1] =	stream.indirect_vreg.gather [hbm4b:s5+s10], $0x1, v0, vm0, $0x4038;
	v63 =	vand.u32 $0x7F, v5;
	v1 =	vor.u32 v1, v4;
	[tilespmem:$0x400] =	vst v63  }
0x18: {  	s15 =	sadd.s32 $0x10, s15;
	(ifvalue) =	ssetifvalue $0x7FFFFFFF;
	v0 =	vor.u32 v63, v1  }
0x19: {  	[tilespmem:s15], [sflag:$0x1] =	stream.indirect_vreg.gather [hbm4b:s5+s10], $0x1, v2, vm0, $0x4038;
	[tilespmem:$0x400] =	vst v63  }
0x1a: {  	s15 =	sadd.s32 $0x10, s15;
	(ifvalue) =	ssetifvalue $0x7FFFFFFF  }
0x1b: {  	[tilespmem:s15], [sflag:$0x1] =	stream.indirect_vreg.gather [hbm4b:s5+s10], $0x1, v3, vm0, $0x4038;
	[tilespmem:$0x400] =	vst v63  }
0x1c: {  	s15 =	sadd.s32 $0x10, s15;
	(ifvalue) =	ssetifvalue $0x7FFFFFFF  }
0x1d: {  	[tilespmem:s15], [sflag:$0x1] =	stream.indirect_vreg.gather [hbm4b:s5+s10], $0x1, v0, vm0, $0x4038;
	[tilespmem:$0x400] =	vst v63  }
0x1e: {  	_ =	swait.ge [sflag:s6], $0x100  }
0x1f: {  	s30 =	sshrl.u32 s13, $0x3;
	[sflag:s6] =	ssyncset.done $0x0  }
0x20: {  	s31 =	sand.u32 $0x7, s13;
	s15 =	sadd.s32 s3, s30;
	[sflag:s6] =	ssyncadd.s32 $0xFFFFFF00  }
0x21: {  	[hbm4b:s15+s31] =	stream.linear.scatter [tilespmem:s14], [sflag:$0x3], $0x100, $0x38;
	[tilespmem:$0x400] =	vst v63  }
.LBB2_5:
0x22: {  	s15 =	sadd.s32 $0x2000, s11  }
0x23: {  	p2 =	sgt.s32 s15, $0x3FFF  }
0x24: {  	s15 =	smov.u32 @p2 s4;
	p2 =	sne.s32 s12, s9  }
.Ltmp1:
0x25: {  	p1 =	slt.u32 s12, $0x2;
	(pc) =	sbr.rel @!p2 .LBB2_6-.Ltmp1, $4  }
0x26: {  	s14 =	simm.s32 @!p1 $0x3  }
0x27: {  	s16 =	sadd.s32 $0x1, s12;
	_ =	swait.ge @!p1 [sflag:s14], $0x100  }
0x28: {  	s13 =	smov.u32 s11;
	p0 =	por !p0, !p0;
	[sflag:s14] =	ssyncset.done @!p1 $0x0  }
0x29: {  	s12 =	smov.u32 s16;
	s11 =	smov.u32 s15;
	[sflag:s14] =	ssyncadd.s32 @!p1 $0xFFFFFF00  }
.LBB2_1:
0x2a: {  	p1 =	sge.u32 s12, s8  }
0x2b: {  	s14 =	sxor.u32 @!p1 $0xFFFFFFFF, s12  }
0x2c: {  	s31 =	sadd.s32 $0xFFFFFFFF, s12;
	s15 =	sshrl.u32 @!p1 s11, $0x3;
	s14 =	sshll.u32 @!p1 s14, $0x8  }
0x2d: {  	s16 =	sand.u32 @!p1 $0x7, s11;
	s15 =	sadd.s32 @!p1 s2, s15;
	s14 =	sand.u32 @!p1 $0x100, s14  }
0x2e: {  	[tilespmem:s14], [sflag:$0x2] =	stream.linear.gather @!p1 [hbm4b:s15+s16], $0x100, $0x38;
	[tilespmem:$0x400] =	vst v63  }
0x2f: {  	p1 =	sge.u32 s31, s8  }
.Ltmp2:
0x30: {  	_ = 	snop;
	(pc) =	sbr.rel @p1 .LBB2_5-.Ltmp2, $1  }
0x31: {  	_ =	sdelay $0x3  }
0x32: {  	s14 =	simm.s32 $0x1  }
0x33: {  	_ =	swait.ge [sflag:s7], $0x100;
	s14 =	simm.s32 @!p0 $0x0  }
0x34: {  	[sflag:s7] =	ssyncset.done $0x0;
	s14 =	sshll.u32 s14, $0x8  }
0x35: {  	[sflag:s7] =	ssyncadd.s32 $0xFFFFFF00;
	(ifvalue) =	ssetifvalue $0x7FFFFFFF;
	v0 =	vld.msk [tilespmem:s14+$0x0 ss:$0x1], $0xffff  }
0x36: {  	s15 =	sadd.s32 $0x10, s14  }
0x37: {  	v1 =	vld.msk [tilespmem:s15+$0x0 ss:$0x1], $0xffff;
	_ =	sdelay $0x2  }
0x38: {  	v2 =	vshrl.u32 v0, $0x3  }
0x39: {  	vm1 =	veq.s32 v0, $0x80000000;
	v0 =	vand.u32 $0x7, v0;
	v2 =	vand.u32 $0x7FF, v2  }
0x3a: {  	v0 =	vsel vm1, $0xFFFFFFFF, v0;
	v6 =	vshrl.u32 v1, $0x3;
	v2 =	vsel vm1, $0xFFFFFFFF, v2  }
0x3b: {  	v3 =	vshrl.u32 v0, $0x3;
	v0 =	vshll.u32 v0, $0x7;
	vm1 =	veq.s32 v1, $0x80000000  }
0x3c: {  	s15 =	sadd.s32 $0x10, s15;
	v1 =	vand.u32 $0x7, v1;
	v4 =	vshll.u32 v2, $0x3;
	v3 =	vmul.u32 $0x3800, v3  }
0x3d: {  	v0 =	vand.u32 $0x380, v0;
	v7 =	vand.u32 $0x7F, v2;
	v5 =	vand.u32 $0xFFFFFC00, v4;
	v4 =	vld.msk [tilespmem:s15+$0x0 ss:$0x1], $0xffff  }
0x3e: {  	v1 =	vsel vm1, $0xFFFFFFFF, v1;
	v2 =	vadd.s32 v3, v5;
	v3 =	vand.u32 $0x7FF, v6  }
0x3f: {  	v3 =	vsel vm1, $0xFFFFFFFF, v3;
	v0 =	vor.u32 v0, v2;
	v2 =	vshrl.u32 v1, $0x3  }
0x40: {  	s16 =	sshll.u32 s12, $0x8;
	s18 =	simm.s32 $0x30;
	v1 =	vshll.u32 v1, $0x7;
	v5 =	vshll.u32 v3, $0x3;
	v8 =	vmul.u32 $0x3800, v2  }
0x41: {  	s31 =	sand.u32 $0x100, s16;
	s17 =	sadd.s32 $0x10, s15;
	s15 =	sor.u32 $0x200, s14;
	v2 =	vand.u32 $0x380, v1;
	v0 =	vor.u32 v7, v0;
	v5 =	vand.u32 $0xFFFFFC00, v5  }
0x42: {  	s14 =	sor.u32 $0x200, s31;
	s16 =	smov.u32 s15;
	v1 =	vld.msk [tilespmem:s17+$0x0 ss:$0x1], $0xffff;
	v3 =	vand.u32 $0x7F, v3;
	(ifvalue) =	ssetifvalue $0x7FFFFFFF;
	v6 =	vshrl.u32 v4, $0x3;
	v5 =	vadd.s32 v8, v5  }
.LBB2_3:
0x43: {  	s18 =	sadd.s32 $0x10, s18  }
0x44: {  	vm1 =	veq.s32 v4, $0x80000000;
	v4 =	vand.u32 $0x7, v4;
	v6 =	vand.u32 $0x7FF, v6;
	s15 =	sadd.s32 $0x10, s15;
	p1 =	slt.u32 s18, $0xF0  }
.Ltmp3:
0x45: {  	v5 =	vor.u32 v2, v5;
	v4 =	vsel vm1, $0xFFFFFFFF, v4;
	v7 =	vsel vm1, $0xFFFFFFFF, v6;
	(pc) =	sbr.rel @p1 .LBB2_3-.Ltmp3, $4  }
0x46: {  	v2 =	vshrl.u32 v4, $0x3;
	v6 =	vshll.u32 v7, $0x3;
	v4 =	vshll.u32 v4, $0x7;
	[tilespmem:s16], [sflag:$0x1] =	stream.indirect_vreg.gather [hbm4b:s5+s10], $0x1, v0, vm0, $0x4038;
	[tilespmem:$0x400] =	vst v63  }
0x47: {  	v0 =	vor.u32 v3, v5;
	s16 =	smov.u32 s15;
	v8 =	vmul.u32 $0x3800, v2;
	v2 =	vand.u32 $0x380, v4  }
0x48: {  	s17 =	sadd.s32 $0x10, s17;
	v9 =	vand.u32 $0xFFFFFC00, v6  }
0x49: {  	v3 =	vand.u32 $0x7F, v7;
	v6 =	vshrl.u32 v1, $0x3;
	v5 =	vadd.s32 v8, v9;
	(ifvalue) =	ssetifvalue $0x7FFFFFFF;
	v4 =	vmovc v1;
	v1 =	vld.msk [tilespmem:s17+$0x0 ss:$0x1], $0xffff  }
.Ltmp4:
0x4a: {  	_ = 	snop;
	(pc) =	sbr.rel .LBB2_4-.Ltmp4, $1  }
0x4b: {  	_ =	sdelay $0x3  }
.LBB2_6:
0x4c: {  	_ =	sfence.sel $0x180000  }
0x4d: {  	s2 =	simm.s32 $0x2;
	[bflag:$0x0] =	sbarrier.arrive $0xFFFF  }
0x4e: {  	s30 =	simm.s32 $0x3;
	[sflag:s2] =	ssyncpa.u1 $0x1  }
0x4f: {  	s31 =	simm.s32 $0x1;
	[sflag:s30] =	ssyncpa.u1 $0x1  }
0x50: {  	[sflag:s31] =	ssyncpa.u1 $0x1  }
0x51: {  	p0 =	sne.s32 s0, $0x0;
	_ =	strace $0x9000004A  }
0x52: {  	s0 =	sadd.s32 @!p0 $0x100000, s1;
	[bflag:$0x2] =	sbarrier.arrive $0xFFFF  }
0x53: {  	[sflag:s0] =	ssyncadd.tile.s32 @!p0 $0x1;
	_ =	shalt  }
.Lfunc_end2:
_tile_overlayer_lowered:
.L_overlay_start_2:
0x54: {  	(tag) =	ssettag $0x2  }
0x55: {  	s0 =	rddreg [dreg:$0x0];
	s2 =	stileid.u32  }
0x56: {  	s1 =	rddreg [dreg:$0x1];
	p0 =	sne.s32 s2, $0x0  }
0x57: {  	s3 =	rddreg [dreg:$0x2];
	[bflag:$0x3] =	sbarrier.arrive $0xFFFF;
	s2 =	simm.s32 @!p0 $0x1C01  }
0x58: {  	[timem:s3], [sflag:s2] =	dma.local @!p0 [hbm:s0], s1  }
0x59: {  	s0 =	simm.s32 @!p0 $0x1  }
0x5a: {  	_ =	swait.ge @!p0 [sflag:s0], s1  }
0x5b: {  	s1 =	ssub.s32 @!p0 $0x0, s1;
	[sflag:s0] =	ssyncset.done @!p0 $0x0  }
0x5c: {  	[sflag:s0] =	ssyncadd.s32 @!p0 s1  }
0x5d: {  	[bflag:$0x3] =	sbarrier.arrive $0xFFFF  }
0x5e: {  	_ =	shalt  }

</sc_bundles>
